<compile_context>
chip_gen: v7x
topology: tpu7x:2x2x1
jax: 0.10.2.dev20260603
libtpu: 0.0.44.dev20260713+nightly
codegen_flags: <defaults>
</compile_context>

<pallas_src>
import functools

import jax
import jax.numpy as jnp
from jax import lax
from jax.experimental import pallas as pl
from jax.experimental.pallas import tpu as pltpu
from jax.experimental.pallas import tpu_sc as plsc

N = 10000
E = 320000
D = 128
R = 8
NB = 3

NC = 2
NS = 16
C = 64
CPW = 160
NSLOT = 4
PKR = CPW * C // 128
EPAD = NC * NS * CPW * C
PK_HBM_ROWS = EPAD // 128
ACC_ROWS = 10112
ZPT = ACC_ROWS // NS

MM_BLK = 1000
FIN_BLK = ACC_ROWS // NS


def _mm_body(x_ref, bases_ref, coeff_ref, o_ref):
    xb = [
        jnp.dot(x_ref[...], bases_ref[b], preferred_element_type=jnp.float32)
        for b in range(NB)
    ]
    for r in range(R):
        acc = coeff_ref[r, 0] * xb[0]
        for b in range(1, NB):
            acc = acc + coeff_ref[r, b] * xb[b]
        o_ref[:, r * D:(r + 1) * D] = acc


def _project(x, bases, coeff):
    return pl.pallas_call(
        _mm_body,
        grid=(N // MM_BLK,),
        in_specs=[
            pl.BlockSpec((MM_BLK, D), lambda i: (i, 0)),
            pl.BlockSpec((NB, D, D), lambda i: (0, 0, 0)),
            pl.BlockSpec(memory_space=pltpu.SMEM),
        ],
        out_specs=pl.BlockSpec((MM_BLK, R * D), lambda i: (i, 0)),
        out_shape=jax.ShapeDtypeStruct((N, R * D), jnp.float32),
    )(x, bases, coeff)


_SC_MESH = plsc.VectorSubcoreMesh(core_axis_name="c", subcore_axis_name="s")


PACK_SHIFT = 14
PACK_MASK = (1 << PACK_SHIFT) - 1


@functools.partial(
    pl.kernel,
    out_type=jax.ShapeDtypeStruct((NC, ACC_ROWS, D), jnp.float32),
    mesh=_SC_MESH,
    scratch_types=[
        pltpu.VMEM((PKR, 128), jnp.int32),
        pltpu.VMEM((NSLOT, C), jnp.int32),
        pltpu.VMEM((NSLOT, C), jnp.int32),
        pltpu.VMEM((NSLOT, C, D), jnp.float32),
        pltpu.VMEM_SHARED((2048, D), jnp.float32),
        pltpu.VMEM_SHARED((4096, D), jnp.float32),
    ] + [pltpu.SemaphoreType.DMA] * NSLOT,
)
def _sc_scatter(pk_hbm, xw_hbm, out_hbm, pk_v, rows_v, dst_v, gbuf, acc,
                tbl, *sems):
    cid = lax.axis_index("c")
    sid = lax.axis_index("s")
    wid = cid * NS + sid
    p0 = wid * PKR

    pltpu.sync_copy(pk_hbm.at[pl.ds(p0, PKR)], pk_v)

    zero = jnp.zeros((16,), jnp.float32)

    def _z(r, carry):
        for cc in range(D // 16):
            gbuf[0, r, pl.ds(cc * 16, 16)] = zero
        return carry

    lax.fori_loop(0, C, _z, 0)
    pltpu.sync_copy(xw_hbm.at[pl.ds(sid * 256, 256)],
                    tbl.at[pl.ds(sid * 256, 256)])
    plsc.subcore_barrier()

    def _start(j, slot, sem):
        prow = j // 2
        pcol = (j & 1) * C
        for cc in range(C // 16):
            v = pk_v[prow, pl.ds(pcol + cc * 16, 16)]
            rows_v[slot, pl.ds(cc * 16, 16)] = lax.bitwise_and(v, 8191)
            dst_v[slot, pl.ds(cc * 16, 16)] = lax.bitwise_and(v, PACK_MASK)
        pltpu.async_copy(xw_hbm.at[rows_v.at[slot]], gbuf.at[slot], sem)

    def _finish(slot, sem):
        pltpu.make_async_copy(
            xw_hbm.at[rows_v.at[slot]], gbuf.at[slot], sem).wait()

    for s in range(NSLOT - 1):
        _start(s, s, sems[s])

    def _body(jj, carry):
        a = NSLOT * jj
        _start(a + NSLOT - 1, NSLOT - 1, sems[NSLOT - 1])
        _finish(0, sems[0])
        for b in range(1, NSLOT):
            @pl.when(jj < CPW // NSLOT - 1)
            def _(b=b):
                _start(a + NSLOT - 1 + b, b - 1, sems[b - 1])

            _finish(b, sems[b])
        return carry

    lax.fori_loop(0, CPW // NSLOT, _body, 0)
    plsc.subcore_barrier()

    pltpu.sync_copy(acc.at[pl.ds(sid * 128, 128)],
                    out_hbm.at[cid, pl.ds(sid * 128, 128)])


def _fin_body(p_ref, b_ref, o_ref):
    o_ref[...] = jnp.maximum(p_ref[0] + p_ref[1] + b_ref[...], 0.0)


def _combine(partials, bias):
    return pl.pallas_call(
        _fin_body,
        grid=(ACC_ROWS // FIN_BLK,),
        in_specs=[
            pl.BlockSpec((NC, FIN_BLK, D), lambda i: (0, i, 0)),
            pl.BlockSpec((1, D), lambda i: (0, 0)),
        ],
        out_specs=pl.BlockSpec((FIN_BLK, D), lambda i: (i, 0)),
        out_shape=jax.ShapeDtypeStruct((ACC_ROWS, D), jnp.float32),
    )(partials, bias)


def kernel(text, edge_index, etype, bases, coeff, bias):
    src = edge_index[0]
    dst = edge_index[1]

    packed = (src * R + etype) * (1 << PACK_SHIFT) + dst
    pad = EPAD - E
    packed2d = jnp.concatenate(
        [packed, jnp.full((pad,), N, jnp.int32)]).reshape(PK_HBM_ROWS, 128)

    xw = _project(text, bases, coeff)
    xw_rows = xw.reshape(N * R, D)
    partials = _sc_scatter(packed2d, xw_rows)
    out = _combine(partials, bias.reshape(1, D))
    return out[:N].reshape(N, 1, D)

# --- scband reference (transcript-rebuilt; emitter-appended) ---
"""Pipeline reference for scband-dgl-relation-graph-convolution-network-21715354648951 (READ-ONLY COPY).

The authoritative reference and input builder live on the scoring server;
editing this copy changes nothing except your own understanding.
"""

import jax, jax.numpy as jnp
import numpy as np

N = 10000
E = 320000
D_IN = 128
D_OUT = 128
R = 8
NUM_BASES = 3


def setup_inputs(seed: int = 0) -> dict:
    key = jax.random.key(seed)
    ks = jax.random.split(key, 6)
    text = jax.random.normal(ks[0], (N, D_IN), dtype=jnp.float32)
    edge_index = jax.random.randint(ks[1], (2, E), 0, N, dtype=jnp.int32)
    etype = jax.random.randint(ks[2], (E,), 0, R, dtype=jnp.int32)
    # Basis-decomposition parameters of RelGraphConv (regularizer='basis', num_bases=3)
    bases = jax.random.normal(ks[3], (NUM_BASES, D_IN, D_OUT), dtype=jnp.float32) * (1.0 / np.sqrt(D_IN))
    coeff = jax.random.normal(ks[4], (R, NUM_BASES), dtype=jnp.float32) * (1.0 / np.sqrt(NUM_BASES))
    bias = jnp.zeros((D_OUT,), dtype=jnp.float32)
    return {"text": text, "edge_index": edge_index, "etype": etype,
            "bases": bases, "coeff": coeff, "bias": bias}


def reference(text, edge_index, etype, bases, coeff, bias):
    # Faithful to DGL RelGraphConv(basis regularizer, self_loop=False, activation=relu, norm=None):
    #   W_r = sum_b coeff[r, b] * V_b
    #   message m_e = x[src_e] @ W_{etype_e}
    #   h_v = relu( sum_{e: dst_e = v} m_e + bias )
    src = edge_index[0]
    dst = edge_index[1]
    hidden = text
    feature = hidden.reshape(-1, hidden.shape[-1])  # [N, D_IN]
    # compose relation weights from bases
    weight = jnp.einsum('rb,bio->rio', coeff, bases)  # [R, D_IN, D_OUT]
    # project every node by every relation weight (equivalent low-mem form),
    # then gather the (src, etype) projected message per edge
    xw = jnp.einsum('ni,rio->nro', feature, weight)  # [N, R, D_OUT]
    m = xw[src, etype]                               # [E, D_OUT] gather
    agg = jax.ops.segment_sum(m, dst, num_segments=N)  # scatter-add over dst
    result = jax.nn.relu(agg + bias)
    output = result.reshape(result.shape[0], -1)
    # output.view([hidden_size[0], -1, output_size[-1]]) with 2D text -> [N, 1, D_OUT]
    output = output.reshape(hidden.shape[0], -1, output.shape[-1])
    return output


if False:  # reference __main__ guard neutralized (emitter)
    out = reference(**setup_inputs())
    print(out.shape, out.dtype)

if __name__ == "__main__":
    import jax
    _d = setup_inputs()
    print(jax.jit(kernel)(*tuple(_d.values())))

</pallas_src>

<mosaic_0001>
#map = affine_map<(d0, d1) -> (0, 0)>
#map1 = affine_map<(d0, d1) -> (0, 0, 0)>
module attributes {stable_mosaic.version = 14 : i64} {
  func.func @_sc_scatter(%arg0: i32, %arg1: i32, %arg2: memref<2560x128xi32, #tpu.memory_space<hbm>>, %arg3: memref<80000x128xf32, #tpu.memory_space<hbm>>, %arg4: memref<2x10112x128xf32, #tpu.memory_space<hbm>>, %arg5: memref<80x128xi32, #tpu.memory_space<vmem>>, %arg6: memref<4x64xi32, #tpu.memory_space<vmem>>, %arg7: memref<4x64xi32, #tpu.memory_space<vmem>>, %arg8: memref<4x64x128xf32, #tpu.memory_space<vmem>>, %arg9: memref<2048x128xf32, #tpu.memory_space<vmem_shared>>, %arg10: memref<4096x128xf32, #tpu.memory_space<vmem_shared>>, %arg11: memref<!tpu.dma_semaphore, #tpu.memory_space<semaphore_mem>>, %arg12: memref<!tpu.dma_semaphore, #tpu.memory_space<semaphore_mem>>, %arg13: memref<!tpu.dma_semaphore, #tpu.memory_space<semaphore_mem>>, %arg14: memref<!tpu.dma_semaphore, #tpu.memory_space<semaphore_mem>>) attributes {dimension_semantics = [#tpu.dimension_semantics<core_parallel>, #tpu.dimension_semantics<subcore_parallel>], iteration_bounds = array<i64: 2, 16>, scalar_prefetch = 0 : i64, scratch_operands = 10 : i64, tpu.core_type = #tpu.core_type<sc_vector_subcore>, window_params = [{transform_indices = #map}, {transform_indices = #map}, {transform_indices = #map1}]} {
    %mul3A = arith.constant 16 : i32
    %mul3A_0 = arith.muli %arg0, %mul3A : i32
    %add3A = arith.addi %mul3A_0, %arg1 : i32
    %mul3A_1 = arith.constant 80 : i32
    %mul3A_2 = arith.muli %add3A, %mul3A_1 : i32
    "tpu.region"() ({
      %run_scoped3A = tpu.sem_alloc : memref<!tpu.dma_semaphore, #tpu.memory_space<semaphore_mem>>
      %dma_start3A_332 = arith.constant 0 : i32
      %dma_start3A_333 = tpu.memref_slice %arg2[%mul3A_2, %dma_start3A_332] : memref<2560x128xi32, #tpu.memory_space<hbm>> -> memref<80x128xi32, #tpu.memory_space<hbm>>
      %dma_start3A_334 = arith.constant 0 : i32
      %dma_start3A_335 = tpu.memref_slice %arg2[%mul3A_2, %dma_start3A_334] : memref<2560x128xi32, #tpu.memory_space<hbm>> -> memref<80x128xi32, #tpu.memory_space<hbm>>
      tpu.enqueue_dma source(%dma_start3A_335 : memref<80x128xi32, #tpu.memory_space<hbm>>) target(%arg5 : memref<80x128xi32, #tpu.memory_space<vmem>>) target_semaphore(%run_scoped3A : memref<!tpu.dma_semaphore, #tpu.memory_space<semaphore_mem>>)
      %dma_wait3A = arith.constant 0 : i32
      %dma_wait3A_336 = tpu.memref_slice %arg2[%mul3A_2, %dma_wait3A] : memref<2560x128xi32, #tpu.memory_space<hbm>> -> memref<80x128xi32, #tpu.memory_space<hbm>>
      %dma_wait3A_337 = arith.constant 0 : i32
      %dma_wait3A_338 = tpu.memref_slice %arg2[%mul3A_2, %dma_wait3A_337] : memref<2560x128xi32, #tpu.memory_space<hbm>> -> memref<80x128xi32, #tpu.memory_space<hbm>>
      tpu.wait_dma2 semaphore(%run_scoped3A : memref<!tpu.dma_semaphore, #tpu.memory_space<semaphore_mem>>) src(%dma_wait3A_338 : memref<80x128xi32, #tpu.memory_space<hbm>>) dst(%arg5 : memref<80x128xi32, #tpu.memory_space<vmem>>)
      tpu.yield
    }) : () -> ()
    %broadcast_in_dim3A = arith.constant 0.000000e+00 : f32
    %broadcast_in_dim3A_3 = vector.broadcast %broadcast_in_dim3A : f32 to vector<16xf32>
    %scan3A = arith.constant 0 : i32
    %scan3A_4 = arith.constant 0 : i32
    %scan3A_5 = arith.constant 64 : i32
    %scan3A_6 = arith.addi %scan3A_4, %scan3A_5 : i32
    %scan3A_7 = arith.constant 1 : i32
    scf.for %scan3A_332 = %scan3A_4 to %scan3A_6 step %scan3A_7  : i32 {
      %swap3A_333 = arith.constant 0 : i32
      %swap3A_334 = arith.index_cast %swap3A_333 : i32 to index
      %swap3A_335 = arith.index_cast %scan3A_332 : i32 to index
      %swap3A_336 = arith.constant 0 : index
      %swap3A_337 = tpu.vector_load %arg8[%swap3A_334, %swap3A_335, %swap3A_336] {strides = array<i32>} : memref<4x64x128xf32, #tpu.memory_space<vmem>>, vector<1x1x16xf32>,
      %swap3A_338 = vector.shape_cast %swap3A_337 : vector<1x1x16xf32> to vector<16xf32>
      %swap3A_339 = vector.shape_cast %broadcast_in_dim3A_3 : vector<16xf32> to vector<1x1x16xf32>
      tpu.vector_store %arg8[%swap3A_334, %swap3A_335, %swap3A_336], %swap3A_339 {strides = array<i32>} : memref<4x64x128xf32, #tpu.memory_space<vmem>>, vector<1x1x16xf32>,
      %swap3A_340 = arith.constant 0 : i32
      %swap3A_341 = arith.index_cast %swap3A_340 : i32 to index
      %swap3A_342 = arith.index_cast %scan3A_332 : i32 to index
      %swap3A_343 = arith.constant 16 : index
      %swap3A_344 = tpu.vector_load %arg8[%swap3A_341, %swap3A_342, %swap3A_343] {strides = array<i32>} : memref<4x64x128xf32, #tpu.memory_space<vmem>>, vector<1x1x16xf32>,
      %swap3A_345 = vector.shape_cast %swap3A_344 : vector<1x1x16xf32> to vector<16xf32>
      %swap3A_346 = vector.shape_cast %broadcast_in_dim3A_3 : vector<16xf32> to vector<1x1x16xf32>
      tpu.vector_store %arg8[%swap3A_341, %swap3A_342, %swap3A_343], %swap3A_346 {strides = array<i32>} : memref<4x64x128xf32, #tpu.memory_space<vmem>>, vector<1x1x16xf32>,
      %swap3A_347 = arith.constant 0 : i32
      %swap3A_348 = arith.index_cast %swap3A_347 : i32 to index
      %swap3A_349 = arith.index_cast %scan3A_332 : i32 to index
      %swap3A_350 = arith.constant 32 : index
      %swap3A_351 = tpu.vector_load %arg8[%swap3A_348, %swap3A_349, %swap3A_350] {strides = array<i32>} : memref<4x64x128xf32, #tpu.memory_space<vmem>>, vector<1x1x16xf32>,
      %swap3A_352 = vector.shape_cast %swap3A_351 : vector<1x1x16xf32> to vector<16xf32>
      %swap3A_353 = vector.shape_cast %broadcast_in_dim3A_3 : vector<16xf32> to vector<1x1x16xf32>
      tpu.vector_store %arg8[%swap3A_348, %swap3A_349, %swap3A_350], %swap3A_353 {strides = array<i32>} : memref<4x64x128xf32, #tpu.memory_space<vmem>>, vector<1x1x16xf32>,
      %swap3A_354 = arith.constant 0 : i32
      %swap3A_355 = arith.index_cast %swap3A_354 : i32 to index
      %swap3A_356 = arith.index_cast %scan3A_332 : i32 to index
      %swap3A_357 = arith.constant 48 : index
      %swap3A_358 = tpu.vector_load %arg8[%swap3A_355, %swap3A_356, %swap3A_357] {strides = array<i32>} : memref<4x64x128xf32, #tpu.memory_space<vmem>>, vector<1x1x16xf32>,
      %swap3A_359 = vector.shape_cast %swap3A_358 : vector<1x1x16xf32> to vector<16xf32>
      %swap3A_360 = vector.shape_cast %broadcast_in_dim3A_3 : vector<16xf32> to vector<1x1x16xf32>
      tpu.vector_store %arg8[%swap3A_355, %swap3A_356, %swap3A_357], %swap3A_360 {strides = array<i32>} : memref<4x64x128xf32, #tpu.memory_space<vmem>>, vector<1x1x16xf32>,
      %swap3A_361 = arith.constant 0 : i32
      %swap3A_362 = arith.index_cast %swap3A_361 : i32 to index
      %swap3A_363 = arith.index_cast %scan3A_332 : i32 to index
      %swap3A_364 = arith.constant 64 : index
      %swap3A_365 = tpu.vector_load %arg8[%swap3A_362, %swap3A_363, %swap3A_364] {strides = array<i32>} : memref<4x64x128xf32, #tpu.memory_space<vmem>>, vector<1x1x16xf32>,
      %swap3A_366 = vector.shape_cast %swap3A_365 : vector<1x1x16xf32> to vector<16xf32>
      %swap3A_367 = vector.shape_cast %broadcast_in_dim3A_3 : vector<16xf32> to vector<1x1x16xf32>
      tpu.vector_store %arg8[%swap3A_362, %swap3A_363, %swap3A_364], %swap3A_367 {strides = array<i32>} : memref<4x64x128xf32, #tpu.memory_space<vmem>>, vector<1x1x16xf32>,
      %swap3A_368 = arith.constant 0 : i32
      %swap3A_369 = arith.index_cast %swap3A_368 : i32 to index
      %swap3A_370 = arith.index_cast %scan3A_332 : i32 to index
      %swap3A_371 = arith.constant 80 : index
      %swap3A_372 = tpu.vector_load %arg8[%swap3A_369, %swap3A_370, %swap3A_371] {strides = array<i32>} : memref<4x64x128xf32, #tpu.memory_space<vmem>>, vector<1x1x16xf32>,
      %swap3A_373 = vector.shape_cast %swap3A_372 : vector<1x1x16xf32> to vector<16xf32>
      %swap3A_374 = vector.shape_cast %broadcast_in_dim3A_3 : vector<16xf32> to vector<1x1x16xf32>
      tpu.vector_store %arg8[%swap3A_369, %swap3A_370, %swap3A_371], %swap3A_374 {strides = array<i32>} : memref<4x64x128xf32, #tpu.memory_space<vmem>>, vector<1x1x16xf32>,
      %swap3A_375 = arith.constant 0 : i32
      %swap3A_376 = arith.index_cast %swap3A_375 : i32 to index
      %swap3A_377 = arith.index_cast %scan3A_332 : i32 to index
      %swap3A_378 = arith.constant 96 : index
      %swap3A_379 = tpu.vector_load %arg8[%swap3A_376, %swap3A_377, %swap3A_378] {strides = array<i32>} : memref<4x64x128xf32, #tpu.memory_space<vmem>>, vector<1x1x16xf32>,
      %swap3A_380 = vector.shape_cast %swap3A_379 : vector<1x1x16xf32> to vector<16xf32>
      %swap3A_381 = vector.shape_cast %broadcast_in_dim3A_3 : vector<16xf32> to vector<1x1x16xf32>
      tpu.vector_store %arg8[%swap3A_376, %swap3A_377, %swap3A_378], %swap3A_381 {strides = array<i32>} : memref<4x64x128xf32, #tpu.memory_space<vmem>>, vector<1x1x16xf32>,
      %swap3A_382 = arith.constant 0 : i32
      %swap3A_383 = arith.index_cast %swap3A_382 : i32 to index
      %swap3A_384 = arith.index_cast %scan3A_332 : i32 to index
      %swap3A_385 = arith.constant 112 : index
      %swap3A_386 = tpu.vector_load %arg8[%swap3A_383, %swap3A_384, %swap3A_385] {strides = array<i32>} : memref<4x64x128xf32, #tpu.memory_space<vmem>>, vector<1x1x16xf32>,
      %swap3A_387 = vector.shape_cast %swap3A_386 : vector<1x1x16xf32> to vector<16xf32>
      %swap3A_388 = vector.shape_cast %broadcast_in_dim3A_3 : vector<16xf32> to vector<1x1x16xf32>
      tpu.vector_store %arg8[%swap3A_383, %swap3A_384, %swap3A_385], %swap3A_388 {strides = array<i32>} : memref<4x64x128xf32, #tpu.memory_space<vmem>>, vector<1x1x16xf32>,
    }
    %scan3A_8 = arith.constant 64 : i32
    %mul3A_9 = arith.constant 256 : i32
    %mul3A_10 = arith.muli %arg1, %mul3A_9 : i32
    %mul3A_11 = arith.constant 256 : i32
    %mul3A_12 = arith.muli %arg1, %mul3A_11 : i32
    "tpu.region"() ({
      %run_scoped3A = tpu.sem_alloc : memref<!tpu.dma_semaphore, #tpu.memory_space<semaphore_mem>>
      %dma_start3A_332 = arith.constant 0 : i32
      %dma_start3A_333 = tpu.memref_slice %arg10[%mul3A_12, %dma_start3A_332] : memref<4096x128xf32, #tpu.memory_space<vmem_shared>> -> memref<256x128xf32, #tpu.memory_space<vmem_shared>>
      %dma_start3A_334 = arith.constant 0 : i32
      %dma_start3A_335 = tpu.memref_slice %arg3[%mul3A_10, %dma_start3A_334] : memref<80000x128xf32, #tpu.memory_space<hbm>> -> memref<256x128xf32, #tpu.memory_space<hbm>>
      tpu.enqueue_dma source(%dma_start3A_335 : memref<256x128xf32, #tpu.memory_space<hbm>>) target(%dma_start3A_333 : memref<256x128xf32, #tpu.memory_space<vmem_shared>>) target_semaphore(%run_scoped3A : memref<!tpu.dma_semaphore, #tpu.memory_space<semaphore_mem>>)
      %dma_wait3A = arith.constant 0 : i32
      %dma_wait3A_336 = tpu.memref_slice %arg10[%mul3A_12, %dma_wait3A] : memref<4096x128xf32, #tpu.memory_space<vmem_shared>> -> memref<256x128xf32, #tpu.memory_space<vmem_shared>>
      %dma_wait3A_337 = arith.constant 0 : i32
      %dma_wait3A_338 = tpu.memref_slice %arg3[%mul3A_10, %dma_wait3A_337] : memref<80000x128xf32, #tpu.memory_space<hbm>> -> memref<256x128xf32, #tpu.memory_space<hbm>>
      tpu.wait_dma2 semaphore(%run_scoped3A : memref<!tpu.dma_semaphore, #tpu.memory_space<semaphore_mem>>) src(%dma_wait3A_338 : memref<256x128xf32, #tpu.memory_space<hbm>>) dst(%dma_wait3A_336 : memref<256x128xf32, #tpu.memory_space<vmem_shared>>)
      tpu.yield
    }) : () -> ()
    %barrier3A = arith.constant 0 : index
    tpu.barrier barrier_id(%barrier3A)
    %get3A = arith.constant 0 : i32
    %get3A_13 = arith.index_cast %get3A : i32 to index
    %get3A_14 = arith.constant 0 : index
    %get3A_15 = tpu.vector_load %arg5[%get3A_13, %get3A_14] {strides = array<i32>} : memref<80x128xi32, #tpu.memory_space<vmem>>, vector<1x16xi32>,
    %get3A_16 = vector.shape_cast %get3A_15 : vector<1x16xi32> to vector<16xi32>
    %and3A = arith.constant 8191 : i32
    %and3A_17 = vector.broadcast %and3A : i32 to vector<16xi32>
    %and3A_18 = arith.andi %get3A_16, %and3A_17 : vector<16xi32>
    %swap3A = arith.constant 0 : i32
    %swap3A_19 = arith.index_cast %swap3A : i32 to index
    %swap3A_20 = arith.constant 0 : index
    %swap3A_21 = tpu.vector_load %arg6[%swap3A_19, %swap3A_20] {strides = array<i32>} : memref<4x64xi32, #tpu.memory_space<vmem>>, vector<1x16xi32>,
    %swap3A_22 = vector.shape_cast %swap3A_21 : vector<1x16xi32> to vector<16xi32>
    %swap3A_23 = vector.shape_cast %and3A_18 : vector<16xi32> to vector<1x16xi32>
    tpu.vector_store %arg6[%swap3A_19, %swap3A_20], %swap3A_23 {strides = array<i32>} : memref<4x64xi32, #tpu.memory_space<vmem>>, vector<1x16xi32>,
    %and3A_24 = arith.constant 16383 : i32
    %and3A_25 = vector.broadcast %and3A_24 : i32 to vector<16xi32>
    %and3A_26 = arith.andi %get3A_16, %and3A_25 : vector<16xi32>
    %swap3A_27 = arith.constant 0 : i32
    %swap3A_28 = arith.index_cast %swap3A_27 : i32 to index
    %swap3A_29 = arith.constant 0 : index
    %swap3A_30 = tpu.vector_load %arg7[%swap3A_28, %swap3A_29] {strides = array<i32>} : memref<4x64xi32, #tpu.memory_space<vmem>>, vector<1x16xi32>,
    %swap3A_31 = vector.shape_cast %swap3A_30 : vector<1x16xi32> to vector<16xi32>
    %swap3A_32 = vector.shape_cast %and3A_26 : vector<16xi32> to vector<1x16xi32>
    tpu.vector_store %arg7[%swap3A_28, %swap3A_29], %swap3A_32 {strides = array<i32>} : memref<4x64xi32, #tpu.memory_space<vmem>>, vector<1x16xi32>,
    %get3A_33 = arith.constant 0 : i32
    %get3A_34 = arith.index_cast %get3A_33 : i32 to index
    %get3A_35 = arith.constant 16 : index
    %get3A_36 = tpu.vector_load %arg5[%get3A_34, %get3A_35] {strides = array<i32>} : memref<80x128xi32, #tpu.memory_space<vmem>>, vector<1x16xi32>,
    %get3A_37 = vector.shape_cast %get3A_36 : vector<1x16xi32> to vector<16xi32>
    %and3A_38 = arith.constant 8191 : i32
    %and3A_39 = vector.broadcast %and3A_38 : i32 to vector<16xi32>
    %and3A_40 = arith.andi %get3A_37, %and3A_39 : vector<16xi32>
    %swap3A_41 = arith.constant 0 : i32
    %swap3A_42 = arith.index_cast %swap3A_41 : i32 to index
    %swap3A_43 = arith.constant 16 : index
    %swap3A_44 = tpu.vector_load %arg6[%swap3A_42, %swap3A_43] {strides = array<i32>} : memref<4x64xi32, #tpu.memory_space<vmem>>, vector<1x16xi32>,
    %swap3A_45 = vector.shape_cast %swap3A_44 : vector<1x16xi32> to vector<16xi32>
    %swap3A_46 = vector.shape_cast %and3A_40 : vector<16xi32> to vector<1x16xi32>
    tpu.vector_store %arg6[%swap3A_42, %swap3A_43], %swap3A_46 {strides = array<i32>} : memref<4x64xi32, #tpu.memory_space<vmem>>, vector<1x16xi32>,
    %and3A_47 = arith.constant 16383 : i32
    %and3A_48 = vector.broadcast %and3A_47 : i32 to vector<16xi32>
    %and3A_49 = arith.andi %get3A_37, %and3A_48 : vector<16xi32>
    %swap3A_50 = arith.constant 0 : i32
    %swap3A_51 = arith.index_cast %swap3A_50 : i32 to index
    %swap3A_52 = arith.constant 16 : index
    %swap3A_53 = tpu.vector_load %arg7[%swap3A_51, %swap3A_52] {strides = array<i32>} : memref<4x64xi32, #tpu.memory_space<vmem>>, vector<1x16xi32>,
    %swap3A_54 = vector.shape_cast %swap3A_53 : vector<1x16xi32> to vector<16xi32>
    %swap3A_55 = vector.shape_cast %and3A_49 : vector<16xi32> to vector<1x16xi32>
    tpu.vector_store %arg7[%swap3A_51, %swap3A_52], %swap3A_55 {strides = array<i32>} : memref<4x64xi32, #tpu.memory_space<vmem>>, vector<1x16xi32>,
    %get3A_56 = arith.constant 0 : i32
    %get3A_57 = arith.index_cast %get3A_56 : i32 to index
    %get3A_58 = arith.constant 32 : index
    %get3A_59 = tpu.vector_load %arg5[%get3A_57, %get3A_58] {strides = array<i32>} : memref<80x128xi32, #tpu.memory_space<vmem>>, vector<1x16xi32>,
    %get3A_60 = vector.shape_cast %get3A_59 : vector<1x16xi32> to vector<16xi32>
    %and3A_61 = arith.constant 8191 : i32
    %and3A_62 = vector.broadcast %and3A_61 : i32 to vector<16xi32>
    %and3A_63 = arith.andi %get3A_60, %and3A_62 : vector<16xi32>
    %swap3A_64 = arith.constant 0 : i32
    %swap3A_65 = arith.index_cast %swap3A_64 : i32 to index
    %swap3A_66 = arith.constant 32 : index
    %swap3A_67 = tpu.vector_load %arg6[%swap3A_65, %swap3A_66] {strides = array<i32>} : memref<4x64xi32, #tpu.memory_space<vmem>>, vector<1x16xi32>,
    %swap3A_68 = vector.shape_cast %swap3A_67 : vector<1x16xi32> to vector<16xi32>
    %swap3A_69 = vector.shape_cast %and3A_63 : vector<16xi32> to vector<1x16xi32>
    tpu.vector_store %arg6[%swap3A_65, %swap3A_66], %swap3A_69 {strides = array<i32>} : memref<4x64xi32, #tpu.memory_space<vmem>>, vector<1x16xi32>,
    %and3A_70 = arith.constant 16383 : i32
    %and3A_71 = vector.broadcast %and3A_70 : i32 to vector<16xi32>
    %and3A_72 = arith.andi %get3A_60, %and3A_71 : vector<16xi32>
    %swap3A_73 = arith.constant 0 : i32
    %swap3A_74 = arith.index_cast %swap3A_73 : i32 to index
    %swap3A_75 = arith.constant 32 : index
    %swap3A_76 = tpu.vector_load %arg7[%swap3A_74, %swap3A_75] {strides = array<i32>} : memref<4x64xi32, #tpu.memory_space<vmem>>, vector<1x16xi32>,
    %swap3A_77 = vector.shape_cast %swap3A_76 : vector<1x16xi32> to vector<16xi32>
    %swap3A_78 = vector.shape_cast %and3A_72 : vector<16xi32> to vector<1x16xi32>
    tpu.vector_store %arg7[%swap3A_74, %swap3A_75], %swap3A_78 {strides = array<i32>} : memref<4x64xi32, #tpu.memory_space<vmem>>, vector<1x16xi32>,
    %get3A_79 = arith.constant 0 : i32
    %get3A_80 = arith.index_cast %get3A_79 : i32 to index
    %get3A_81 = arith.constant 48 : index
    %get3A_82 = tpu.vector_load %arg5[%get3A_80, %get3A_81] {strides = array<i32>} : memref<80x128xi32, #tpu.memory_space<vmem>>, vector<1x16xi32>,
    %get3A_83 = vector.shape_cast %get3A_82 : vector<1x16xi32> to vector<16xi32>
    %and3A_84 = arith.constant 8191 : i32
    %and3A_85 = vector.broadcast %and3A_84 : i32 to vector<16xi32>
    %and3A_86 = arith.andi %get3A_83, %and3A_85 : vector<16xi32>
    %swap3A_87 = arith.constant 0 : i32
    %swap3A_88 = arith.index_cast %swap3A_87 : i32 to index
    %swap3A_89 = arith.constant 48 : index
    %swap3A_90 = tpu.vector_load %arg6[%swap3A_88, %swap3A_89] {strides = array<i32>} : memref<4x64xi32, #tpu.memory_space<vmem>>, vector<1x16xi32>,
    %swap3A_91 = vector.shape_cast %swap3A_90 : vector<1x16xi32> to vector<16xi32>
    %swap3A_92 = vector.shape_cast %and3A_86 : vector<16xi32> to vector<1x16xi32>
    tpu.vector_store %arg6[%swap3A_88, %swap3A_89], %swap3A_92 {strides = array<i32>} : memref<4x64xi32, #tpu.memory_space<vmem>>, vector<1x16xi32>,
    %and3A_93 = arith.constant 16383 : i32
    %and3A_94 = vector.broadcast %and3A_93 : i32 to vector<16xi32>
    %and3A_95 = arith.andi %get3A_83, %and3A_94 : vector<16xi32>
    %swap3A_96 = arith.constant 0 : i32
    %swap3A_97 = arith.index_cast %swap3A_96 : i32 to index
    %swap3A_98 = arith.constant 48 : index
    %swap3A_99 = tpu.vector_load %arg7[%swap3A_97, %swap3A_98] {strides = array<i32>} : memref<4x64xi32, #tpu.memory_space<vmem>>, vector<1x16xi32>,
    %swap3A_100 = vector.shape_cast %swap3A_99 : vector<1x16xi32> to vector<16xi32>
    %swap3A_101 = vector.shape_cast %and3A_95 : vector<16xi32> to vector<1x16xi32>
    tpu.vector_store %arg7[%swap3A_97, %swap3A_98], %swap3A_101 {strides = array<i32>} : memref<4x64xi32, #tpu.memory_space<vmem>>, vector<1x16xi32>,
    %dma_start3A = arith.constant 0 : i32
    %dma_start3A_102 = arith.constant 0 : i32
    %dma_start3A_103 = arith.constant 0 : i32
    %dma_start3A_104 = arith.constant 0 : i32
    %dma_start3A_105 = tpu.memref_slice %arg8[%dma_start3A_102, %dma_start3A_103, %dma_start3A_104] : memref<4x64x128xf32, #tpu.memory_space<vmem>> -> memref<1x64x128xf32, #tpu.memory_space<vmem>>
    %dma_start3A_106 = tpu.memref_squeeze %dma_start3A_105 : memref<1x64x128xf32, #tpu.memory_space<vmem>> -> memref<64x128xf32, #tpu.memory_space<vmem>>
    %dma_start3A_107 = arith.constant 0 : i32
    %dma_start3A_108 = tpu.memref_slice %arg6[%dma_start3A, %dma_start3A_107] : memref<4x64xi32, #tpu.memory_space<vmem>> -> memref<1x64xi32, #tpu.memory_space<vmem>>
    %dma_start3A_109 = tpu.memref_squeeze %dma_start3A_108 : memref<1x64xi32, #tpu.memory_space<vmem>> -> memref<64xi32, #tpu.memory_space<vmem>>
    %dma_start3A_110 = arith.constant 0 : i32
    %dma_start3A_111 = arith.constant 0 : i32
    %dma_start3A_112 = tpu.memref_slice %arg3[%dma_start3A_110, %dma_start3A_111] : memref<80000x128xf32, #tpu.memory_space<hbm>> -> memref<80000x128xf32, #tpu.memory_space<hbm>>
    tpu.enqueue_indirect_dma source(%dma_start3A_112 : memref<80000x128xf32, #tpu.memory_space<hbm>>) target(%dma_start3A_106 : memref<64x128xf32, #tpu.memory_space<vmem>>) offsets(%dma_start3A_109 : memref<64xi32, #tpu.memory_space<vmem>>) semaphore(%arg11 : memref<!tpu.dma_semaphore, #tpu.memory_space<semaphore_mem>>)
    %get3A_113 = arith.constant 0 : i32
    %get3A_114 = arith.index_cast %get3A_113 : i32 to index
    %get3A_115 = arith.constant 64 : index
    %get3A_116 = tpu.vector_load %arg5[%get3A_114, %get3A_115] {strides = array<i32>} : memref<80x128xi32, #tpu.memory_space<vmem>>, vector<1x16xi32>,
    %get3A_117 = vector.shape_cast %get3A_116 : vector<1x16xi32> to vector<16xi32>
    %and3A_118 = arith.constant 8191 : i32
    %and3A_119 = vector.broadcast %and3A_118 : i32 to vector<16xi32>
    %and3A_120 = arith.andi %get3A_117, %and3A_119 : vector<16xi32>
    %swap3A_121 = arith.constant 1 : i32
    %swap3A_122 = arith.index_cast %swap3A_121 : i32 to index
    %swap3A_123 = arith.constant 0 : index
    %swap3A_124 = tpu.vector_load %arg6[%swap3A_122, %swap3A_123] {strides = array<i32>} : memref<4x64xi32, #tpu.memory_space<vmem>>, vector<1x16xi32>,
    %swap3A_125 = vector.shape_cast %swap3A_124 : vector<1x16xi32> to vector<16xi32>
    %swap3A_126 = vector.shape_cast %and3A_120 : vector<16xi32> to vector<1x16xi32>
    tpu.vector_store %arg6[%swap3A_122, %swap3A_123], %swap3A_126 {strides = array<i32>} : memref<4x64xi32, #tpu.memory_space<vmem>>, vector<1x16xi32>,
    %and3A_127 = arith.constant 16383 : i32
    %and3A_128 = vector.broadcast %and3A_127 : i32 to vector<16xi32>
    %and3A_129 = arith.andi %get3A_117, %and3A_128 : vector<16xi32>
    %swap3A_130 = arith.constant 1 : i32
    %swap3A_131 = arith.index_cast %swap3A_130 : i32 to index
    %swap3A_132 = arith.constant 0 : index
    %swap3A_133 = tpu.vector_load %arg7[%swap3A_131, %swap3A_132] {strides = array<i32>} : memref<4x64xi32, #tpu.memory_space<vmem>>, vector<1x16xi32>,
    %swap3A_134 = vector.shape_cast %swap3A_133 : vector<1x16xi32> to vector<16xi32>
    %swap3A_135 = vector.shape_cast %and3A_129 : vector<16xi32> to vector<1x16xi32>
    tpu.vector_store %arg7[%swap3A_131, %swap3A_132], %swap3A_135 {strides = array<i32>} : memref<4x64xi32, #tpu.memory_space<vmem>>, vector<1x16xi32>,
    %get3A_136 = arith.constant 0 : i32
    %get3A_137 = arith.index_cast %get3A_136 : i32 to index
    %get3A_138 = arith.constant 80 : index
    %get3A_139 = tpu.vector_load %arg5[%get3A_137, %get3A_138] {strides = array<i32>} : memref<80x128xi32, #tpu.memory_space<vmem>>, vector<1x16xi32>,
    %get3A_140 = vector.shape_cast %get3A_139 : vector<1x16xi32> to vector<16xi32>
    %and3A_141 = arith.constant 8191 : i32
    %and3A_142 = vector.broadcast %and3A_141 : i32 to vector<16xi32>
    %and3A_143 = arith.andi %get3A_140, %and3A_142 : vector<16xi32>
    %swap3A_144 = arith.constant 1 : i32
    %swap3A_145 = arith.index_cast %swap3A_144 : i32 to index
    %swap3A_146 = arith.constant 16 : index
    %swap3A_147 = tpu.vector_load %arg6[%swap3A_145, %swap3A_146] {strides = array<i32>} : memref<4x64xi32, #tpu.memory_space<vmem>>, vector<1x16xi32>,
    %swap3A_148 = vector.shape_cast %swap3A_147 : vector<1x16xi32> to vector<16xi32>
    %swap3A_149 = vector.shape_cast %and3A_143 : vector<16xi32> to vector<1x16xi32>
    tpu.vector_store %arg6[%swap3A_145, %swap3A_146], %swap3A_149 {strides = array<i32>} : memref<4x64xi32, #tpu.memory_space<vmem>>, vector<1x16xi32>,
    %and3A_150 = arith.constant 16383 : i32
    %and3A_151 = vector.broadcast %and3A_150 : i32 to vector<16xi32>
    %and3A_152 = arith.andi %get3A_140, %and3A_151 : vector<16xi32>
    %swap3A_153 = arith.constant 1 : i32
    %swap3A_154 = arith.index_cast %swap3A_153 : i32 to index
    %swap3A_155 = arith.constant 16 : index
    %swap3A_156 = tpu.vector_load %arg7[%swap3A_154, %swap3A_155] {strides = array<i32>} : memref<4x64xi32, #tpu.memory_space<vmem>>, vector<1x16xi32>,
    %swap3A_157 = vector.shape_cast %swap3A_156 : vector<1x16xi32> to vector<16xi32>
    %swap3A_158 = vector.shape_cast %and3A_152 : vector<16xi32> to vector<1x16xi32>
    tpu.vector_store %arg7[%swap3A_154, %swap3A_155], %swap3A_158 {strides = array<i32>} : memref<4x64xi32, #tpu.memory_space<vmem>>, vector<1x16xi32>,
    %get3A_159 = arith.constant 0 : i32
    %get3A_160 = arith.index_cast %get3A_159 : i32 to index
    %get3A_161 = arith.constant 96 : index
    %get3A_162 = tpu.vector_load %arg5[%get3A_160, %get3A_161] {strides = array<i32>} : memref<80x128xi32, #tpu.memory_space<vmem>>, vector<1x16xi32>,
    %get3A_163 = vector.shape_cast %get3A_162 : vector<1x16xi32> to vector<16xi32>
    %and3A_164 = arith.constant 8191 : i32
    %and3A_165 = vector.broadcast %and3A_164 : i32 to vector<16xi32>
    %and3A_166 = arith.andi %get3A_163, %and3A_165 : vector<16xi32>
    %swap3A_167 = arith.constant 1 : i32
    %swap3A_168 = arith.index_cast %swap3A_167 : i32 to index
    %swap3A_169 = arith.constant 32 : index
    %swap3A_170 = tpu.vector_load %arg6[%swap3A_168, %swap3A_169] {strides = array<i32>} : memref<4x64xi32, #tpu.memory_space<vmem>>, vector<1x16xi32>,
    %swap3A_171 = vector.shape_cast %swap3A_170 : vector<1x16xi32> to vector<16xi32>
    %swap3A_172 = vector.shape_cast %and3A_166 : vector<16xi32> to vector<1x16xi32>
    tpu.vector_store %arg6[%swap3A_168, %swap3A_169], %swap3A_172 {strides = array<i32>} : memref<4x64xi32, #tpu.memory_space<vmem>>, vector<1x16xi32>,
    %and3A_173 = arith.constant 16383 : i32
    %and3A_174 = vector.broadcast %and3A_173 : i32 to vector<16xi32>
    %and3A_175 = arith.andi %get3A_163, %and3A_174 : vector<16xi32>
    %swap3A_176 = arith.constant 1 : i32
    %swap3A_177 = arith.index_cast %swap3A_176 : i32 to index
    %swap3A_178 = arith.constant 32 : index
    %swap3A_179 = tpu.vector_load %arg7[%swap3A_177, %swap3A_178] {strides = array<i32>} : memref<4x64xi32, #tpu.memory_space<vmem>>, vector<1x16xi32>,
    %swap3A_180 = vector.shape_cast %swap3A_179 : vector<1x16xi32> to vector<16xi32>
    %swap3A_181 = vector.shape_cast %and3A_175 : vector<16xi32> to vector<1x16xi32>
    tpu.vector_store %arg7[%swap3A_177, %swap3A_178], %swap3A_181 {strides = array<i32>} : memref<4x64xi32, #tpu.memory_space<vmem>>, vector<1x16xi32>,
    %get3A_182 = arith.constant 0 : i32
    %get3A_183 = arith.index_cast %get3A_182 : i32 to index
    %get3A_184 = arith.constant 112 : index
    %get3A_185 = tpu.vector_load %arg5[%get3A_183, %get3A_184] {strides = array<i32>} : memref<80x128xi32, #tpu.memory_space<vmem>>, vector<1x16xi32>,
    %get3A_186 = vector.shape_cast %get3A_185 : vector<1x16xi32> to vector<16xi32>
    %and3A_187 = arith.constant 8191 : i32
    %and3A_188 = vector.broadcast %and3A_187 : i32 to vector<16xi32>
    %and3A_189 = arith.andi %get3A_186, %and3A_188 : vector<16xi32>
    %swap3A_190 = arith.constant 1 : i32
    %swap3A_191 = arith.index_cast %swap3A_190 : i32 to index
    %swap3A_192 = arith.constant 48 : index
    %swap3A_193 = tpu.vector_load %arg6[%swap3A_191, %swap3A_192] {strides = array<i32>} : memref<4x64xi32, #tpu.memory_space<vmem>>, vector<1x16xi32>,
    %swap3A_194 = vector.shape_cast %swap3A_193 : vector<1x16xi32> to vector<16xi32>
    %swap3A_195 = vector.shape_cast %and3A_189 : vector<16xi32> to vector<1x16xi32>
    tpu.vector_store %arg6[%swap3A_191, %swap3A_192], %swap3A_195 {strides = array<i32>} : memref<4x64xi32, #tpu.memory_space<vmem>>, vector<1x16xi32>,
    %and3A_196 = arith.constant 16383 : i32
    %and3A_197 = vector.broadcast %and3A_196 : i32 to vector<16xi32>
    %and3A_198 = arith.andi %get3A_186, %and3A_197 : vector<16xi32>
    %swap3A_199 = arith.constant 1 : i32
    %swap3A_200 = arith.index_cast %swap3A_199 : i32 to index
    %swap3A_201 = arith.constant 48 : index
    %swap3A_202 = tpu.vector_load %arg7[%swap3A_200, %swap3A_201] {strides = array<i32>} : memref<4x64xi32, #tpu.memory_space<vmem>>, vector<1x16xi32>,
    %swap3A_203 = vector.shape_cast %swap3A_202 : vector<1x16xi32> to vector<16xi32>
    %swap3A_204 = vector.shape_cast %and3A_198 : vector<16xi32> to vector<1x16xi32>
    tpu.vector_store %arg7[%swap3A_200, %swap3A_201], %swap3A_204 {strides = array<i32>} : memref<4x64xi32, #tpu.memory_space<vmem>>, vector<1x16xi32>,
    %dma_start3A_205 = arith.constant 1 : i32
    %dma_start3A_206 = arith.constant 1 : i32
    %dma_start3A_207 = arith.constant 0 : i32
    %dma_start3A_208 = arith.constant 0 : i32
    %dma_start3A_209 = tpu.memref_slice %arg8[%dma_start3A_206, %dma_start3A_207, %dma_start3A_208] : memref<4x64x128xf32, #tpu.memory_space<vmem>> -> memref<1x64x128xf32, #tpu.memory_space<vmem>>
    %dma_start3A_210 = tpu.memref_squeeze %dma_start3A_209 : memref<1x64x128xf32, #tpu.memory_space<vmem>> -> memref<64x128xf32, #tpu.memory_space<vmem>>
    %dma_start3A_211 = arith.constant 0 : i32
    %dma_start3A_212 = tpu.memref_slice %arg6[%dma_start3A_205, %dma_start3A_211] : memref<4x64xi32, #tpu.memory_space<vmem>> -> memref<1x64xi32, #tpu.memory_space<vmem>>
    %dma_start3A_213 = tpu.memref_squeeze %dma_start3A_212 : memref<1x64xi32, #tpu.memory_space<vmem>> -> memref<64xi32, #tpu.memory_space<vmem>>
    %dma_start3A_214 = arith.constant 0 : i32
    %dma_start3A_215 = arith.constant 0 : i32
    %dma_start3A_216 = tpu.memref_slice %arg3[%dma_start3A_214, %dma_start3A_215] : memref<80000x128xf32, #tpu.memory_space<hbm>> -> memref<80000x128xf32, #tpu.memory_space<hbm>>
    tpu.enqueue_indirect_dma source(%dma_start3A_216 : memref<80000x128xf32, #tpu.memory_space<hbm>>) target(%dma_start3A_210 : memref<64x128xf32, #tpu.memory_space<vmem>>) offsets(%dma_start3A_213 : memref<64xi32, #tpu.memory_space<vmem>>) semaphore(%arg12 : memref<!tpu.dma_semaphore, #tpu.memory_space<semaphore_mem>>)
    %get3A_217 = arith.constant 1 : i32
    %get3A_218 = arith.index_cast %get3A_217 : i32 to index
    %get3A_219 = arith.constant 0 : index
    %get3A_220 = tpu.vector_load %arg5[%get3A_218, %get3A_219] {strides = array<i32>} : memref<80x128xi32, #tpu.memory_space<vmem>>, vector<1x16xi32>,
    %get3A_221 = vector.shape_cast %get3A_220 : vector<1x16xi32> to vector<16xi32>
    %and3A_222 = arith.constant 8191 : i32
    %and3A_223 = vector.broadcast %and3A_222 : i32 to vector<16xi32>
    %and3A_224 = arith.andi %get3A_221, %and3A_223 : vector<16xi32>
    %swap3A_225 = arith.constant 2 : i32
    %swap3A_226 = arith.index_cast %swap3A_225 : i32 to index
    %swap3A_227 = arith.constant 0 : index
    %swap3A_228 = tpu.vector_load %arg6[%swap3A_226, %swap3A_227] {strides = array<i32>} : memref<4x64xi32, #tpu.memory_space<vmem>>, vector<1x16xi32>,
    %swap3A_229 = vector.shape_cast %swap3A_228 : vector<1x16xi32> to vector<16xi32>
    %swap3A_230 = vector.shape_cast %and3A_224 : vector<16xi32> to vector<1x16xi32>
    tpu.vector_store %arg6[%swap3A_226, %swap3A_227], %swap3A_230 {strides = array<i32>} : memref<4x64xi32, #tpu.memory_space<vmem>>, vector<1x16xi32>,
    %and3A_231 = arith.constant 16383 : i32
    %and3A_232 = vector.broadcast %and3A_231 : i32 to vector<16xi32>
    %and3A_233 = arith.andi %get3A_221, %and3A_232 : vector<16xi32>
    %swap3A_234 = arith.constant 2 : i32
    %swap3A_235 = arith.index_cast %swap3A_234 : i32 to index
    %swap3A_236 = arith.constant 0 : index
    %swap3A_237 = tpu.vector_load %arg7[%swap3A_235, %swap3A_236] {strides = array<i32>} : memref<4x64xi32, #tpu.memory_space<vmem>>, vector<1x16xi32>,
    %swap3A_238 = vector.shape_cast %swap3A_237 : vector<1x16xi32> to vector<16xi32>
    %swap3A_239 = vector.shape_cast %and3A_233 : vector<16xi32> to vector<1x16xi32>
    tpu.vector_store %arg7[%swap3A_235, %swap3A_236], %swap3A_239 {strides = array<i32>} : memref<4x64xi32, #tpu.memory_space<vmem>>, vector<1x16xi32>,
    %get3A_240 = arith.constant 1 : i32
    %get3A_241 = arith.index_cast %get3A_240 : i32 to index
    %get3A_242 = arith.constant 16 : index
    %get3A_243 = tpu.vector_load %arg5[%get3A_241, %get3A_242] {strides = array<i32>} : memref<80x128xi32, #tpu.memory_space<vmem>>, vector<1x16xi32>,
    %get3A_244 = vector.shape_cast %get3A_243 : vector<1x16xi32> to vector<16xi32>
    %and3A_245 = arith.constant 8191 : i32
    %and3A_246 = vector.broadcast %and3A_245 : i32 to vector<16xi32>
    %and3A_247 = arith.andi %get3A_244, %and3A_246 : vector<16xi32>
    %swap3A_248 = arith.constant 2 : i32
    %swap3A_249 = arith.index_cast %swap3A_248 : i32 to index
    %swap3A_250 = arith.constant 16 : index
    %swap3A_251 = tpu.vector_load %arg6[%swap3A_249, %swap3A_250] {strides = array<i32>} : memref<4x64xi32, #tpu.memory_space<vmem>>, vector<1x16xi32>,
    %swap3A_252 = vector.shape_cast %swap3A_251 : vector<1x16xi32> to vector<16xi32>
    %swap3A_253 = vector.shape_cast %and3A_247 : vector<16xi32> to vector<1x16xi32>
    tpu.vector_store %arg6[%swap3A_249, %swap3A_250], %swap3A_253 {strides = array<i32>} : memref<4x64xi32, #tpu.memory_space<vmem>>, vector<1x16xi32>,
    %and3A_254 = arith.constant 16383 : i32
    %and3A_255 = vector.broadcast %and3A_254 : i32 to vector<16xi32>
    %and3A_256 = arith.andi %get3A_244, %and3A_255 : vector<16xi32>
    %swap3A_257 = arith.constant 2 : i32
    %swap3A_258 = arith.index_cast %swap3A_257 : i32 to index
    %swap3A_259 = arith.constant 16 : index
    %swap3A_260 = tpu.vector_load %arg7[%swap3A_258, %swap3A_259] {strides = array<i32>} : memref<4x64xi32, #tpu.memory_space<vmem>>, vector<1x16xi32>,
    %swap3A_261 = vector.shape_cast %swap3A_260 : vector<1x16xi32> to vector<16xi32>
    %swap3A_262 = vector.shape_cast %and3A_256 : vector<16xi32> to vector<1x16xi32>
    tpu.vector_store %arg7[%swap3A_258, %swap3A_259], %swap3A_262 {strides = array<i32>} : memref<4x64xi32, #tpu.memory_space<vmem>>, vector<1x16xi32>,
    %get3A_263 = arith.constant 1 : i32
    %get3A_264 = arith.index_cast %get3A_263 : i32 to index
    %get3A_265 = arith.constant 32 : index
    %get3A_266 = tpu.vector_load %arg5[%get3A_264, %get3A_265] {strides = array<i32>} : memref<80x128xi32, #tpu.memory_space<vmem>>, vector<1x16xi32>,
    %get3A_267 = vector.shape_cast %get3A_266 : vector<1x16xi32> to vector<16xi32>
    %and3A_268 = arith.constant 8191 : i32
    %and3A_269 = vector.broadcast %and3A_268 : i32 to vector<16xi32>
    %and3A_270 = arith.andi %get3A_267, %and3A_269 : vector<16xi32>
    %swap3A_271 = arith.constant 2 : i32
    %swap3A_272 = arith.index_cast %swap3A_271 : i32 to index
    %swap3A_273 = arith.constant 32 : index
    %swap3A_274 = tpu.vector_load %arg6[%swap3A_272, %swap3A_273] {strides = array<i32>} : memref<4x64xi32, #tpu.memory_space<vmem>>, vector<1x16xi32>,
    %swap3A_275 = vector.shape_cast %swap3A_274 : vector<1x16xi32> to vector<16xi32>
    %swap3A_276 = vector.shape_cast %and3A_270 : vector<16xi32> to vector<1x16xi32>
    tpu.vector_store %arg6[%swap3A_272, %swap3A_273], %swap3A_276 {strides = array<i32>} : memref<4x64xi32, #tpu.memory_space<vmem>>, vector<1x16xi32>,
    %and3A_277 = arith.constant 16383 : i32
    %and3A_278 = vector.broadcast %and3A_277 : i32 to vector<16xi32>
    %and3A_279 = arith.andi %get3A_267, %and3A_278 : vector<16xi32>
    %swap3A_280 = arith.constant 2 : i32
    %swap3A_281 = arith.index_cast %swap3A_280 : i32 to index
    %swap3A_282 = arith.constant 32 : index
    %swap3A_283 = tpu.vector_load %arg7[%swap3A_281, %swap3A_282] {strides = array<i32>} : memref<4x64xi32, #tpu.memory_space<vmem>>, vector<1x16xi32>,
    %swap3A_284 = vector.shape_cast %swap3A_283 : vector<1x16xi32> to vector<16xi32>
    %swap3A_285 = vector.shape_cast %and3A_279 : vector<16xi32> to vector<1x16xi32>
    tpu.vector_store %arg7[%swap3A_281, %swap3A_282], %swap3A_285 {strides = array<i32>} : memref<4x64xi32, #tpu.memory_space<vmem>>, vector<1x16xi32>,
    %get3A_286 = arith.constant 1 : i32
    %get3A_287 = arith.index_cast %get3A_286 : i32 to index
    %get3A_288 = arith.constant 48 : index
    %get3A_289 = tpu.vector_load %arg5[%get3A_287, %get3A_288] {strides = array<i32>} : memref<80x128xi32, #tpu.memory_space<vmem>>, vector<1x16xi32>,
    %get3A_290 = vector.shape_cast %get3A_289 : vector<1x16xi32> to vector<16xi32>
    %and3A_291 = arith.constant 8191 : i32
    %and3A_292 = vector.broadcast %and3A_291 : i32 to vector<16xi32>
    %and3A_293 = arith.andi %get3A_290, %and3A_292 : vector<16xi32>
    %swap3A_294 = arith.constant 2 : i32
    %swap3A_295 = arith.index_cast %swap3A_294 : i32 to index
    %swap3A_296 = arith.constant 48 : index
    %swap3A_297 = tpu.vector_load %arg6[%swap3A_295, %swap3A_296] {strides = array<i32>} : memref<4x64xi32, #tpu.memory_space<vmem>>, vector<1x16xi32>,
    %swap3A_298 = vector.shape_cast %swap3A_297 : vector<1x16xi32> to vector<16xi32>
    %swap3A_299 = vector.shape_cast %and3A_293 : vector<16xi32> to vector<1x16xi32>
    tpu.vector_store %arg6[%swap3A_295, %swap3A_296], %swap3A_299 {strides = array<i32>} : memref<4x64xi32, #tpu.memory_space<vmem>>, vector<1x16xi32>,
    %and3A_300 = arith.constant 16383 : i32
    %and3A_301 = vector.broadcast %and3A_300 : i32 to vector<16xi32>
    %and3A_302 = arith.andi %get3A_290, %and3A_301 : vector<16xi32>
    %swap3A_303 = arith.constant 2 : i32
    %swap3A_304 = arith.index_cast %swap3A_303 : i32 to index
    %swap3A_305 = arith.constant 48 : index
    %swap3A_306 = tpu.vector_load %arg7[%swap3A_304, %swap3A_305] {strides = array<i32>} : memref<4x64xi32, #tpu.memory_space<vmem>>, vector<1x16xi32>,
    %swap3A_307 = vector.shape_cast %swap3A_306 : vector<1x16xi32> to vector<16xi32>
    %swap3A_308 = vector.shape_cast %and3A_302 : vector<16xi32> to vector<1x16xi32>
    tpu.vector_store %arg7[%swap3A_304, %swap3A_305], %swap3A_308 {strides = array<i32>} : memref<4x64xi32, #tpu.memory_space<vmem>>, vector<1x16xi32>,
    %dma_start3A_309 = arith.constant 2 : i32
    %dma_start3A_310 = arith.constant 2 : i32
    %dma_start3A_311 = arith.constant 0 : i32
    %dma_start3A_312 = arith.constant 0 : i32
    %dma_start3A_313 = tpu.memref_slice %arg8[%dma_start3A_310, %dma_start3A_311, %dma_start3A_312] : memref<4x64x128xf32, #tpu.memory_space<vmem>> -> memref<1x64x128xf32, #tpu.memory_space<vmem>>
    %dma_start3A_314 = tpu.memref_squeeze %dma_start3A_313 : memref<1x64x128xf32, #tpu.memory_space<vmem>> -> memref<64x128xf32, #tpu.memory_space<vmem>>
    %dma_start3A_315 = arith.constant 0 : i32
    %dma_start3A_316 = tpu.memref_slice %arg6[%dma_start3A_309, %dma_start3A_315] : memref<4x64xi32, #tpu.memory_space<vmem>> -> memref<1x64xi32, #tpu.memory_space<vmem>>
    %dma_start3A_317 = tpu.memref_squeeze %dma_start3A_316 : memref<1x64xi32, #tpu.memory_space<vmem>> -> memref<64xi32, #tpu.memory_space<vmem>>
    %dma_start3A_318 = arith.constant 0 : i32
    %dma_start3A_319 = arith.constant 0 : i32
    %dma_start3A_320 = tpu.memref_slice %arg3[%dma_start3A_318, %dma_start3A_319] : memref<80000x128xf32, #tpu.memory_space<hbm>> -> memref<80000x128xf32, #tpu.memory_space<hbm>>
    tpu.enqueue_indirect_dma source(%dma_start3A_320 : memref<80000x128xf32, #tpu.memory_space<hbm>>) target(%dma_start3A_314 : memref<64x128xf32, #tpu.memory_space<vmem>>) offsets(%dma_start3A_317 : memref<64xi32, #tpu.memory_space<vmem>>) semaphore(%arg13 : memref<!tpu.dma_semaphore, #tpu.memory_space<semaphore_mem>>)
    %scan3A_321 = arith.constant 0 : i32
    %scan3A_322 = arith.constant 0 : i32
    %scan3A_323 = arith.constant 40 : i32
    %scan3A_324 = arith.addi %scan3A_322, %scan3A_323 : i32
    %scan3A_325 = arith.constant 1 : i32
    scf.for %scan3A_332 = %scan3A_322 to %scan3A_324 step %scan3A_325  : i32 {
      %mul3A_333 = arith.constant 4 : i32
      %mul3A_334 = arith.muli %mul3A_333, %scan3A_332 : i32
      %add3A_335 = arith.constant 4 : i32
      %add3A_336 = arith.addi %mul3A_334, %add3A_335 : i32
      %sub3A = arith.constant 1 : i32
      %sub3A_337 = arith.subi %add3A_336, %sub3A : i32
      %jit3A = arith.constant 2 : i32
      %div3A = arith.divsi %sub3A_337, %jit3A : i32
      %sign3A = arith.constant 0 : i32
      %sign3A_338 = arith.cmpi sgt, %sub3A_337, %sign3A : i32
      %sign3A_339 = arith.extui %sign3A_338 : i1 to i32
      %sign3A_340 = arith.constant 0 : i32
      %sign3A_341 = arith.cmpi slt, %sub3A_337, %sign3A_340 : i32
      %sign3A_342 = arith.extui %sign3A_341 : i1 to i32
      %sign3A_343 = arith.subi %sign3A_339, %sign3A_342 : i32
      %sign3A_344 = arith.constant 0 : i32
      %sign3A_345 = arith.cmpi sgt, %jit3A, %sign3A_344 : i32
      %sign3A_346 = arith.extui %sign3A_345 : i1 to i32
      %sign3A_347 = arith.constant 0 : i32
      %sign3A_348 = arith.cmpi slt, %jit3A, %sign3A_347 : i32
      %sign3A_349 = arith.extui %sign3A_348 : i1 to i32
      %sign3A_350 = arith.subi %sign3A_346, %sign3A_349 : i32
      %ne3A = arith.cmpi ne, %sign3A_343, %sign3A_350 : i32
      %rem3A = arith.remsi %sub3A_337, %jit3A : i32
      %ne3A_351 = arith.constant 0 : i32
      %ne3A_352 = arith.cmpi ne, %rem3A, %ne3A_351 : i32
      %and3A_353 = arith.andi %ne3A, %ne3A_352 : i1
      %sub3A_354 = arith.constant 1 : i32
      %sub3A_355 = arith.subi %div3A, %sub3A_354 : i32
      %select_n3A = arith.select %and3A_353, %sub3A_355, %div3A : i32
      %and3A_356 = arith.constant 1 : i32
      %and3A_357 = arith.andi %sub3A_337, %and3A_356 : i32
      %mul3A_358 = arith.constant 64 : i32
      %mul3A_359 = arith.muli %and3A_357, %mul3A_358 : i32
      %add3A_360 = arith.constant 0 : i32
      %add3A_361 = arith.addi %mul3A_359, %add3A_360 : i32
      %get3A_362 = arith.index_cast %select_n3A : i32 to index
      %get3A_363 = arith.index_cast %add3A_361 : i32 to index
      %get3A_364 = tpu.vector_load %arg5[%get3A_362, %get3A_363] {strides = array<i32>} : memref<80x128xi32, #tpu.memory_space<vmem>>, vector<1x16xi32>,
      %get3A_365 = vector.shape_cast %get3A_364 : vector<1x16xi32> to vector<16xi32>
      %and3A_366 = arith.constant 8191 : i32
      %and3A_367 = vector.broadcast %and3A_366 : i32 to vector<16xi32>
      %and3A_368 = arith.andi %get3A_365, %and3A_367 : vector<16xi32>
      %swap3A_369 = arith.constant 3 : i32
      %swap3A_370 = arith.index_cast %swap3A_369 : i32 to index
      %swap3A_371 = arith.constant 0 : index
      %swap3A_372 = tpu.vector_load %arg6[%swap3A_370, %swap3A_371] {strides = array<i32>} : memref<4x64xi32, #tpu.memory_space<vmem>>, vector<1x16xi32>,
      %swap3A_373 = vector.shape_cast %swap3A_372 : vector<1x16xi32> to vector<16xi32>
      %swap3A_374 = vector.shape_cast %and3A_368 : vector<16xi32> to vector<1x16xi32>
      tpu.vector_store %arg6[%swap3A_370, %swap3A_371], %swap3A_374 {strides = array<i32>} : memref<4x64xi32, #tpu.memory_space<vmem>>, vector<1x16xi32>,
      %and3A_375 = arith.constant 16383 : i32
      %and3A_376 = vector.broadcast %and3A_375 : i32 to vector<16xi32>
      %and3A_377 = arith.andi %get3A_365, %and3A_376 : vector<16xi32>
      %swap3A_378 = arith.constant 3 : i32
      %swap3A_379 = arith.index_cast %swap3A_378 : i32 to index
      %swap3A_380 = arith.constant 0 : index
      %swap3A_381 = tpu.vector_load %arg7[%swap3A_379, %swap3A_380] {strides = array<i32>} : memref<4x64xi32, #tpu.memory_space<vmem>>, vector<1x16xi32>,
      %swap3A_382 = vector.shape_cast %swap3A_381 : vector<1x16xi32> to vector<16xi32>
      %swap3A_383 = vector.shape_cast %and3A_377 : vector<16xi32> to vector<1x16xi32>
      tpu.vector_store %arg7[%swap3A_379, %swap3A_380], %swap3A_383 {strides = array<i32>} : memref<4x64xi32, #tpu.memory_space<vmem>>, vector<1x16xi32>,
      %add3A_384 = arith.constant 16 : i32
      %add3A_385 = arith.addi %mul3A_359, %add3A_384 : i32
      %get3A_386 = arith.index_cast %select_n3A : i32 to index
      %get3A_387 = arith.index_cast %add3A_385 : i32 to index
      %get3A_388 = tpu.vector_load %arg5[%get3A_386, %get3A_387] {strides = array<i32>} : memref<80x128xi32, #tpu.memory_space<vmem>>, vector<1x16xi32>,
      %get3A_389 = vector.shape_cast %get3A_388 : vector<1x16xi32> to vector<16xi32>
      %and3A_390 = arith.constant 8191 : i32
      %and3A_391 = vector.broadcast %and3A_390 : i32 to vector<16xi32>
      %and3A_392 = arith.andi %get3A_389, %and3A_391 : vector<16xi32>
      %swap3A_393 = arith.constant 3 : i32
      %swap3A_394 = arith.index_cast %swap3A_393 : i32 to index
      %swap3A_395 = arith.constant 16 : index
      %swap3A_396 = tpu.vector_load %arg6[%swap3A_394, %swap3A_395] {strides = array<i32>} : memref<4x64xi32, #tpu.memory_space<vmem>>, vector<1x16xi32>,
      %swap3A_397 = vector.shape_cast %swap3A_396 : vector<1x16xi32> to vector<16xi32>
      %swap3A_398 = vector.shape_cast %and3A_392 : vector<16xi32> to vector<1x16xi32>
      tpu.vector_store %arg6[%swap3A_394, %swap3A_395], %swap3A_398 {strides = array<i32>} : memref<4x64xi32, #tpu.memory_space<vmem>>, vector<1x16xi32>,
      %and3A_399 = arith.constant 16383 : i32
      %and3A_400 = vector.broadcast %and3A_399 : i32 to vector<16xi32>
      %and3A_401 = arith.andi %get3A_389, %and3A_400 : vector<16xi32>
      %swap3A_402 = arith.constant 3 : i32
      %swap3A_403 = arith.index_cast %swap3A_402 : i32 to index
      %swap3A_404 = arith.constant 16 : index
      %swap3A_405 = tpu.vector_load %arg7[%swap3A_403, %swap3A_404] {strides = array<i32>} : memref<4x64xi32, #tpu.memory_space<vmem>>, vector<1x16xi32>,
      %swap3A_406 = vector.shape_cast %swap3A_405 : vector<1x16xi32> to vector<16xi32>
      %swap3A_407 = vector.shape_cast %and3A_401 : vector<16xi32> to vector<1x16xi32>
      tpu.vector_store %arg7[%swap3A_403, %swap3A_404], %swap3A_407 {strides = array<i32>} : memref<4x64xi32, #tpu.memory_space<vmem>>, vector<1x16xi32>,
      %add3A_408 = arith.constant 32 : i32
      %add3A_409 = arith.addi %mul3A_359, %add3A_408 : i32
      %get3A_410 = arith.index_cast %select_n3A : i32 to index
      %get3A_411 = arith.index_cast %add3A_409 : i32 to index
      %get3A_412 = tpu.vector_load %arg5[%get3A_410, %get3A_411] {strides = array<i32>} : memref<80x128xi32, #tpu.memory_space<vmem>>, vector<1x16xi32>,
      %get3A_413 = vector.shape_cast %get3A_412 : vector<1x16xi32> to vector<16xi32>
      %and3A_414 = arith.constant 8191 : i32
      %and3A_415 = vector.broadcast %and3A_414 : i32 to vector<16xi32>
      %and3A_416 = arith.andi %get3A_413, %and3A_415 : vector<16xi32>
      %swap3A_417 = arith.constant 3 : i32
      %swap3A_418 = arith.index_cast %swap3A_417 : i32 to index
      %swap3A_419 = arith.constant 32 : index
      %swap3A_420 = tpu.vector_load %arg6[%swap3A_418, %swap3A_419] {strides = array<i32>} : memref<4x64xi32, #tpu.memory_space<vmem>>, vector<1x16xi32>,
      %swap3A_421 = vector.shape_cast %swap3A_420 : vector<1x16xi32> to vector<16xi32>
      %swap3A_422 = vector.shape_cast %and3A_416 : vector<16xi32> to vector<1x16xi32>
      tpu.vector_store %arg6[%swap3A_418, %swap3A_419], %swap3A_422 {strides = array<i32>} : memref<4x64xi32, #tpu.memory_space<vmem>>, vector<1x16xi32>,
      %and3A_423 = arith.constant 16383 : i32
      %and3A_424 = vector.broadcast %and3A_423 : i32 to vector<16xi32>
      %and3A_425 = arith.andi %get3A_413, %and3A_424 : vector<16xi32>
      %swap3A_426 = arith.constant 3 : i32
      %swap3A_427 = arith.index_cast %swap3A_426 : i32 to index
      %swap3A_428 = arith.constant 32 : index
      %swap3A_429 = tpu.vector_load %arg7[%swap3A_427, %swap3A_428] {strides = array<i32>} : memref<4x64xi32, #tpu.memory_space<vmem>>, vector<1x16xi32>,
      %swap3A_430 = vector.shape_cast %swap3A_429 : vector<1x16xi32> to vector<16xi32>
      %swap3A_431 = vector.shape_cast %and3A_425 : vector<16xi32> to vector<1x16xi32>
      tpu.vector_store %arg7[%swap3A_427, %swap3A_428], %swap3A_431 {strides = array<i32>} : memref<4x64xi32, #tpu.memory_space<vmem>>, vector<1x16xi32>,
      %add3A_432 = arith.constant 48 : i32
      %add3A_433 = arith.addi %mul3A_359, %add3A_432 : i32
      %get3A_434 = arith.index_cast %select_n3A : i32 to index
      %get3A_435 = arith.index_cast %add3A_433 : i32 to index
      %get3A_436 = tpu.vector_load %arg5[%get3A_434, %get3A_435] {strides = array<i32>} : memref<80x128xi32, #tpu.memory_space<vmem>>, vector<1x16xi32>,
      %get3A_437 = vector.shape_cast %get3A_436 : vector<1x16xi32> to vector<16xi32>
      %and3A_438 = arith.constant 8191 : i32
      %and3A_439 = vector.broadcast %and3A_438 : i32 to vector<16xi32>
      %and3A_440 = arith.andi %get3A_437, %and3A_439 : vector<16xi32>
      %swap3A_441 = arith.constant 3 : i32
      %swap3A_442 = arith.index_cast %swap3A_441 : i32 to index
      %swap3A_443 = arith.constant 48 : index
      %swap3A_444 = tpu.vector_load %arg6[%swap3A_442, %swap3A_443] {strides = array<i32>} : memref<4x64xi32, #tpu.memory_space<vmem>>, vector<1x16xi32>,
      %swap3A_445 = vector.shape_cast %swap3A_444 : vector<1x16xi32> to vector<16xi32>
      %swap3A_446 = vector.shape_cast %and3A_440 : vector<16xi32> to vector<1x16xi32>
      tpu.vector_store %arg6[%swap3A_442, %swap3A_443], %swap3A_446 {strides = array<i32>} : memref<4x64xi32, #tpu.memory_space<vmem>>, vector<1x16xi32>,
      %and3A_447 = arith.constant 16383 : i32
      %and3A_448 = vector.broadcast %and3A_447 : i32 to vector<16xi32>
      %and3A_449 = arith.andi %get3A_437, %and3A_448 : vector<16xi32>
      %swap3A_450 = arith.constant 3 : i32
      %swap3A_451 = arith.index_cast %swap3A_450 : i32 to index
      %swap3A_452 = arith.constant 48 : index
      %swap3A_453 = tpu.vector_load %arg7[%swap3A_451, %swap3A_452] {strides = array<i32>} : memref<4x64xi32, #tpu.memory_space<vmem>>, vector<1x16xi32>,
      %swap3A_454 = vector.shape_cast %swap3A_453 : vector<1x16xi32> to vector<16xi32>
      %swap3A_455 = vector.shape_cast %and3A_449 : vector<16xi32> to vector<1x16xi32>
      tpu.vector_store %arg7[%swap3A_451, %swap3A_452], %swap3A_455 {strides = array<i32>} : memref<4x64xi32, #tpu.memory_space<vmem>>, vector<1x16xi32>,
      %dma_start3A_456 = arith.constant 3 : i32
      %dma_start3A_457 = arith.constant 3 : i32
      %dma_start3A_458 = arith.constant 0 : i32
      %dma_start3A_459 = arith.constant 0 : i32
      %dma_start3A_460 = tpu.memref_slice %arg8[%dma_start3A_457, %dma_start3A_458, %dma_start3A_459] : memref<4x64x128xf32, #tpu.memory_space<vmem>> -> memref<1x64x128xf32, #tpu.memory_space<vmem>>
      %dma_start3A_461 = tpu.memref_squeeze %dma_start3A_460 : memref<1x64x128xf32, #tpu.memory_space<vmem>> -> memref<64x128xf32, #tpu.memory_space<vmem>>
      %dma_start3A_462 = arith.constant 0 : i32
      %dma_start3A_463 = tpu.memref_slice %arg6[%dma_start3A_456, %dma_start3A_462] : memref<4x64xi32, #tpu.memory_space<vmem>> -> memref<1x64xi32, #tpu.memory_space<vmem>>
      %dma_start3A_464 = tpu.memref_squeeze %dma_start3A_463 : memref<1x64xi32, #tpu.memory_space<vmem>> -> memref<64xi32, #tpu.memory_space<vmem>>
      %dma_start3A_465 = arith.constant 0 : i32
      %dma_start3A_466 = arith.constant 0 : i32
      %dma_start3A_467 = tpu.memref_slice %arg3[%dma_start3A_465, %dma_start3A_466] : memref<80000x128xf32, #tpu.memory_space<hbm>> -> memref<80000x128xf32, #tpu.memory_space<hbm>>
      tpu.enqueue_indirect_dma source(%dma_start3A_467 : memref<80000x128xf32, #tpu.memory_space<hbm>>) target(%dma_start3A_461 : memref<64x128xf32, #tpu.memory_space<vmem>>) offsets(%dma_start3A_464 : memref<64xi32, #tpu.memory_space<vmem>>) semaphore(%arg14 : memref<!tpu.dma_semaphore, #tpu.memory_space<semaphore_mem>>)
      %dma_wait3A = arith.constant 0 : i32
      %dma_wait3A_468 = arith.constant 0 : i32
      %dma_wait3A_469 = arith.constant 0 : i32
      %dma_wait3A_470 = arith.constant 0 : i32
      %dma_wait3A_471 = tpu.memref_slice %arg8[%dma_wait3A_468, %dma_wait3A_469, %dma_wait3A_470] : memref<4x64x128xf32, #tpu.memory_space<vmem>> -> memref<1x64x128xf32, #tpu.memory_space<vmem>>
      %dma_wait3A_472 = tpu.memref_squeeze %dma_wait3A_471 : memref<1x64x128xf32, #tpu.memory_space<vmem>> -> memref<64x128xf32, #tpu.memory_space<vmem>>
      %dma_wait3A_473 = arith.constant 0 : i32
      %dma_wait3A_474 = tpu.memref_slice %arg6[%dma_wait3A, %dma_wait3A_473] : memref<4x64xi32, #tpu.memory_space<vmem>> -> memref<1x64xi32, #tpu.memory_space<vmem>>
      %dma_wait3A_475 = tpu.memref_squeeze %dma_wait3A_474 : memref<1x64xi32, #tpu.memory_space<vmem>> -> memref<64xi32, #tpu.memory_space<vmem>>
      %dma_wait3A_476 = arith.constant 0 : i32
      %dma_wait3A_477 = arith.constant 0 : i32
      %dma_wait3A_478 = tpu.memref_slice %arg3[%dma_wait3A_476, %dma_wait3A_477] : memref<80000x128xf32, #tpu.memory_space<hbm>> -> memref<80000x128xf32, #tpu.memory_space<hbm>>
      tpu.wait_indirect_dma semaphore(%arg11 : memref<!tpu.dma_semaphore, #tpu.memory_space<semaphore_mem>>) src(%dma_wait3A_478 : memref<80000x128xf32, #tpu.memory_space<hbm>>) dst(%dma_wait3A_472 : memref<64x128xf32, #tpu.memory_space<vmem>>)
      %lt3A = arith.constant 39 : i32
      %lt3A_479 = arith.cmpi slt, %scan3A_332, %lt3A : i32
      %convert_element_type3A = arith.extui %lt3A_479 : i1 to i32
      %cond3A = arith.constant 0 : i32
      %cond3A_480 = arith.cmpi ne, %convert_element_type3A, %cond3A : i32
      scf.if %cond3A_480 {
        %add3A_527 = arith.constant 4 : i32
        %add3A_528 = arith.addi %mul3A_334, %add3A_527 : i32
        %sub3A_529 = arith.constant 1 : i32
        %sub3A_530 = arith.subi %add3A_528, %sub3A_529 : i32
        %add3A_531 = arith.constant 1 : i32
        %add3A_532 = arith.addi %sub3A_530, %add3A_531 : i32
        %jit3A_533 = arith.constant 2 : i32
        %div3A_534 = arith.divsi %add3A_532, %jit3A_533 : i32
        %sign3A_535 = arith.constant 0 : i32
        %sign3A_536 = arith.cmpi sgt, %add3A_532, %sign3A_535 : i32
        %sign3A_537 = arith.extui %sign3A_536 : i1 to i32
        %sign3A_538 = arith.constant 0 : i32
        %sign3A_539 = arith.cmpi slt, %add3A_532, %sign3A_538 : i32
        %sign3A_540 = arith.extui %sign3A_539 : i1 to i32
        %sign3A_541 = arith.subi %sign3A_537, %sign3A_540 : i32
        %sign3A_542 = arith.constant 0 : i32
        %sign3A_543 = arith.cmpi sgt, %jit3A_533, %sign3A_542 : i32
        %sign3A_544 = arith.extui %sign3A_543 : i1 to i32
        %sign3A_545 = arith.constant 0 : i32
        %sign3A_546 = arith.cmpi slt, %jit3A_533, %sign3A_545 : i32
        %sign3A_547 = arith.extui %sign3A_546 : i1 to i32
        %sign3A_548 = arith.subi %sign3A_544, %sign3A_547 : i32
        %ne3A_549 = arith.cmpi ne, %sign3A_541, %sign3A_548 : i32
        %rem3A_550 = arith.remsi %add3A_532, %jit3A_533 : i32
        %ne3A_551 = arith.constant 0 : i32
        %ne3A_552 = arith.cmpi ne, %rem3A_550, %ne3A_551 : i32
        %and3A_553 = arith.andi %ne3A_549, %ne3A_552 : i1
        %sub3A_554 = arith.constant 1 : i32
        %sub3A_555 = arith.subi %div3A_534, %sub3A_554 : i32
        %select_n3A_556 = arith.select %and3A_553, %sub3A_555, %div3A_534 : i32
        %and3A_557 = arith.constant 1 : i32
        %and3A_558 = arith.andi %add3A_532, %and3A_557 : i32
        %mul3A_559 = arith.constant 64 : i32
        %mul3A_560 = arith.muli %and3A_558, %mul3A_559 : i32
        %add3A_561 = arith.constant 0 : i32
        %add3A_562 = arith.addi %mul3A_560, %add3A_561 : i32
        %get3A_563 = arith.index_cast %select_n3A_556 : i32 to index
        %get3A_564 = arith.index_cast %add3A_562 : i32 to index
        %get3A_565 = tpu.vector_load %arg5[%get3A_563, %get3A_564] {strides = array<i32>} : memref<80x128xi32, #tpu.memory_space<vmem>>, vector<1x16xi32>,
        %get3A_566 = vector.shape_cast %get3A_565 : vector<1x16xi32> to vector<16xi32>
        %and3A_567 = arith.constant 8191 : i32
        %and3A_568 = vector.broadcast %and3A_567 : i32 to vector<16xi32>
        %and3A_569 = arith.andi %get3A_566, %and3A_568 : vector<16xi32>
        %swap3A_570 = arith.constant 0 : i32
        %swap3A_571 = arith.index_cast %swap3A_570 : i32 to index
        %swap3A_572 = arith.constant 0 : index
        %swap3A_573 = tpu.vector_load %arg6[%swap3A_571, %swap3A_572] {strides = array<i32>} : memref<4x64xi32, #tpu.memory_space<vmem>>, vector<1x16xi32>,
        %swap3A_574 = vector.shape_cast %swap3A_573 : vector<1x16xi32> to vector<16xi32>
        %swap3A_575 = vector.shape_cast %and3A_569 : vector<16xi32> to vector<1x16xi32>
        tpu.vector_store %arg6[%swap3A_571, %swap3A_572], %swap3A_575 {strides = array<i32>} : memref<4x64xi32, #tpu.memory_space<vmem>>, vector<1x16xi32>,
        %and3A_576 = arith.constant 16383 : i32
        %and3A_577 = vector.broadcast %and3A_576 : i32 to vector<16xi32>
        %and3A_578 = arith.andi %get3A_566, %and3A_577 : vector<16xi32>
        %swap3A_579 = arith.constant 0 : i32
        %swap3A_580 = arith.index_cast %swap3A_579 : i32 to index
        %swap3A_581 = arith.constant 0 : index
        %swap3A_582 = tpu.vector_load %arg7[%swap3A_580, %swap3A_581] {strides = array<i32>} : memref<4x64xi32, #tpu.memory_space<vmem>>, vector<1x16xi32>,
        %swap3A_583 = vector.shape_cast %swap3A_582 : vector<1x16xi32> to vector<16xi32>
        %swap3A_584 = vector.shape_cast %and3A_578 : vector<16xi32> to vector<1x16xi32>
        tpu.vector_store %arg7[%swap3A_580, %swap3A_581], %swap3A_584 {strides = array<i32>} : memref<4x64xi32, #tpu.memory_space<vmem>>, vector<1x16xi32>,
        %add3A_585 = arith.constant 16 : i32
        %add3A_586 = arith.addi %mul3A_560, %add3A_585 : i32
        %get3A_587 = arith.index_cast %select_n3A_556 : i32 to index
        %get3A_588 = arith.index_cast %add3A_586 : i32 to index
        %get3A_589 = tpu.vector_load %arg5[%get3A_587, %get3A_588] {strides = array<i32>} : memref<80x128xi32, #tpu.memory_space<vmem>>, vector<1x16xi32>,
        %get3A_590 = vector.shape_cast %get3A_589 : vector<1x16xi32> to vector<16xi32>
        %and3A_591 = arith.constant 8191 : i32
        %and3A_592 = vector.broadcast %and3A_591 : i32 to vector<16xi32>
        %and3A_593 = arith.andi %get3A_590, %and3A_592 : vector<16xi32>
        %swap3A_594 = arith.constant 0 : i32
        %swap3A_595 = arith.index_cast %swap3A_594 : i32 to index
        %swap3A_596 = arith.constant 16 : index
        %swap3A_597 = tpu.vector_load %arg6[%swap3A_595, %swap3A_596] {strides = array<i32>} : memref<4x64xi32, #tpu.memory_space<vmem>>, vector<1x16xi32>,
        %swap3A_598 = vector.shape_cast %swap3A_597 : vector<1x16xi32> to vector<16xi32>
        %swap3A_599 = vector.shape_cast %and3A_593 : vector<16xi32> to vector<1x16xi32>
        tpu.vector_store %arg6[%swap3A_595, %swap3A_596], %swap3A_599 {strides = array<i32>} : memref<4x64xi32, #tpu.memory_space<vmem>>, vector<1x16xi32>,
        %and3A_600 = arith.constant 16383 : i32
        %and3A_601 = vector.broadcast %and3A_600 : i32 to vector<16xi32>
        %and3A_602 = arith.andi %get3A_590, %and3A_601 : vector<16xi32>
        %swap3A_603 = arith.constant 0 : i32
        %swap3A_604 = arith.index_cast %swap3A_603 : i32 to index
        %swap3A_605 = arith.constant 16 : index
        %swap3A_606 = tpu.vector_load %arg7[%swap3A_604, %swap3A_605] {strides = array<i32>} : memref<4x64xi32, #tpu.memory_space<vmem>>, vector<1x16xi32>,
        %swap3A_607 = vector.shape_cast %swap3A_606 : vector<1x16xi32> to vector<16xi32>
        %swap3A_608 = vector.shape_cast %and3A_602 : vector<16xi32> to vector<1x16xi32>
        tpu.vector_store %arg7[%swap3A_604, %swap3A_605], %swap3A_608 {strides = array<i32>} : memref<4x64xi32, #tpu.memory_space<vmem>>, vector<1x16xi32>,
        %add3A_609 = arith.constant 32 : i32
        %add3A_610 = arith.addi %mul3A_560, %add3A_609 : i32
        %get3A_611 = arith.index_cast %select_n3A_556 : i32 to index
        %get3A_612 = arith.index_cast %add3A_610 : i32 to index
        %get3A_613 = tpu.vector_load %arg5[%get3A_611, %get3A_612] {strides = array<i32>} : memref<80x128xi32, #tpu.memory_space<vmem>>, vector<1x16xi32>,
        %get3A_614 = vector.shape_cast %get3A_613 : vector<1x16xi32> to vector<16xi32>
        %and3A_615 = arith.constant 8191 : i32
        %and3A_616 = vector.broadcast %and3A_615 : i32 to vector<16xi32>
        %and3A_617 = arith.andi %get3A_614, %and3A_616 : vector<16xi32>
        %swap3A_618 = arith.constant 0 : i32
        %swap3A_619 = arith.index_cast %swap3A_618 : i32 to index
        %swap3A_620 = arith.constant 32 : index
        %swap3A_621 = tpu.vector_load %arg6[%swap3A_619, %swap3A_620] {strides = array<i32>} : memref<4x64xi32, #tpu.memory_space<vmem>>, vector<1x16xi32>,
        %swap3A_622 = vector.shape_cast %swap3A_621 : vector<1x16xi32> to vector<16xi32>
        %swap3A_623 = vector.shape_cast %and3A_617 : vector<16xi32> to vector<1x16xi32>
        tpu.vector_store %arg6[%swap3A_619, %swap3A_620], %swap3A_623 {strides = array<i32>} : memref<4x64xi32, #tpu.memory_space<vmem>>, vector<1x16xi32>,
        %and3A_624 = arith.constant 16383 : i32
        %and3A_625 = vector.broadcast %and3A_624 : i32 to vector<16xi32>
        %and3A_626 = arith.andi %get3A_614, %and3A_625 : vector<16xi32>
        %swap3A_627 = arith.constant 0 : i32
        %swap3A_628 = arith.index_cast %swap3A_627 : i32 to index
        %swap3A_629 = arith.constant 32 : index
        %swap3A_630 = tpu.vector_load %arg7[%swap3A_628, %swap3A_629] {strides = array<i32>} : memref<4x64xi32, #tpu.memory_space<vmem>>, vector<1x16xi32>,
        %swap3A_631 = vector.shape_cast %swap3A_630 : vector<1x16xi32> to vector<16xi32>
        %swap3A_632 = vector.shape_cast %and3A_626 : vector<16xi32> to vector<1x16xi32>
        tpu.vector_store %arg7[%swap3A_628, %swap3A_629], %swap3A_632 {strides = array<i32>} : memref<4x64xi32, #tpu.memory_space<vmem>>, vector<1x16xi32>,
        %add3A_633 = arith.constant 48 : i32
        %add3A_634 = arith.addi %mul3A_560, %add3A_633 : i32
        %get3A_635 = arith.index_cast %select_n3A_556 : i32 to index
        %get3A_636 = arith.index_cast %add3A_634 : i32 to index
        %get3A_637 = tpu.vector_load %arg5[%get3A_635, %get3A_636] {strides = array<i32>} : memref<80x128xi32, #tpu.memory_space<vmem>>, vector<1x16xi32>,
        %get3A_638 = vector.shape_cast %get3A_637 : vector<1x16xi32> to vector<16xi32>
        %and3A_639 = arith.constant 8191 : i32
        %and3A_640 = vector.broadcast %and3A_639 : i32 to vector<16xi32>
        %and3A_641 = arith.andi %get3A_638, %and3A_640 : vector<16xi32>
        %swap3A_642 = arith.constant 0 : i32
        %swap3A_643 = arith.index_cast %swap3A_642 : i32 to index
        %swap3A_644 = arith.constant 48 : index
        %swap3A_645 = tpu.vector_load %arg6[%swap3A_643, %swap3A_644] {strides = array<i32>} : memref<4x64xi32, #tpu.memory_space<vmem>>, vector<1x16xi32>,
        %swap3A_646 = vector.shape_cast %swap3A_645 : vector<1x16xi32> to vector<16xi32>
        %swap3A_647 = vector.shape_cast %and3A_641 : vector<16xi32> to vector<1x16xi32>
        tpu.vector_store %arg6[%swap3A_643, %swap3A_644], %swap3A_647 {strides = array<i32>} : memref<4x64xi32, #tpu.memory_space<vmem>>, vector<1x16xi32>,
        %and3A_648 = arith.constant 16383 : i32
        %and3A_649 = vector.broadcast %and3A_648 : i32 to vector<16xi32>
        %and3A_650 = arith.andi %get3A_638, %and3A_649 : vector<16xi32>
        %swap3A_651 = arith.constant 0 : i32
        %swap3A_652 = arith.index_cast %swap3A_651 : i32 to index
        %swap3A_653 = arith.constant 48 : index
        %swap3A_654 = tpu.vector_load %arg7[%swap3A_652, %swap3A_653] {strides = array<i32>} : memref<4x64xi32, #tpu.memory_space<vmem>>, vector<1x16xi32>,
        %swap3A_655 = vector.shape_cast %swap3A_654 : vector<1x16xi32> to vector<16xi32>
        %swap3A_656 = vector.shape_cast %and3A_650 : vector<16xi32> to vector<1x16xi32>
        tpu.vector_store %arg7[%swap3A_652, %swap3A_653], %swap3A_656 {strides = array<i32>} : memref<4x64xi32, #tpu.memory_space<vmem>>, vector<1x16xi32>,
        %dma_start3A_657 = arith.constant 0 : i32
        %dma_start3A_658 = arith.constant 0 : i32
        %dma_start3A_659 = arith.constant 0 : i32
        %dma_start3A_660 = arith.constant 0 : i32
        %dma_start3A_661 = tpu.memref_slice %arg8[%dma_start3A_658, %dma_start3A_659, %dma_start3A_660] : memref<4x64x128xf32, #tpu.memory_space<vmem>> -> memref<1x64x128xf32, #tpu.memory_space<vmem>>
        %dma_start3A_662 = tpu.memref_squeeze %dma_start3A_661 : memref<1x64x128xf32, #tpu.memory_space<vmem>> -> memref<64x128xf32, #tpu.memory_space<vmem>>
        %dma_start3A_663 = arith.constant 0 : i32
        %dma_start3A_664 = tpu.memref_slice %arg6[%dma_start3A_657, %dma_start3A_663] : memref<4x64xi32, #tpu.memory_space<vmem>> -> memref<1x64xi32, #tpu.memory_space<vmem>>
        %dma_start3A_665 = tpu.memref_squeeze %dma_start3A_664 : memref<1x64xi32, #tpu.memory_space<vmem>> -> memref<64xi32, #tpu.memory_space<vmem>>
        %dma_start3A_666 = arith.constant 0 : i32
        %dma_start3A_667 = arith.constant 0 : i32
        %dma_start3A_668 = tpu.memref_slice %arg3[%dma_start3A_666, %dma_start3A_667] : memref<80000x128xf32, #tpu.memory_space<hbm>> -> memref<80000x128xf32, #tpu.memory_space<hbm>>
        tpu.enqueue_indirect_dma source(%dma_start3A_668 : memref<80000x128xf32, #tpu.memory_space<hbm>>) target(%dma_start3A_662 : memref<64x128xf32, #tpu.memory_space<vmem>>) offsets(%dma_start3A_665 : memref<64xi32, #tpu.memory_space<vmem>>) semaphore(%arg11 : memref<!tpu.dma_semaphore, #tpu.memory_space<semaphore_mem>>)
      } else {
      }
      %dma_wait3A_481 = arith.constant 1 : i32
      %dma_wait3A_482 = arith.constant 1 : i32
      %dma_wait3A_483 = arith.constant 0 : i32
      %dma_wait3A_484 = arith.constant 0 : i32
      %dma_wait3A_485 = tpu.memref_slice %arg8[%dma_wait3A_482, %dma_wait3A_483, %dma_wait3A_484] : memref<4x64x128xf32, #tpu.memory_space<vmem>> -> memref<1x64x128xf32, #tpu.memory_space<vmem>>
      %dma_wait3A_486 = tpu.memref_squeeze %dma_wait3A_485 : memref<1x64x128xf32, #tpu.memory_space<vmem>> -> memref<64x128xf32, #tpu.memory_space<vmem>>
      %dma_wait3A_487 = arith.constant 0 : i32
      %dma_wait3A_488 = tpu.memref_slice %arg6[%dma_wait3A_481, %dma_wait3A_487] : memref<4x64xi32, #tpu.memory_space<vmem>> -> memref<1x64xi32, #tpu.memory_space<vmem>>
      %dma_wait3A_489 = tpu.memref_squeeze %dma_wait3A_488 : memref<1x64xi32, #tpu.memory_space<vmem>> -> memref<64xi32, #tpu.memory_space<vmem>>
      %dma_wait3A_490 = arith.constant 0 : i32
      %dma_wait3A_491 = arith.constant 0 : i32
      %dma_wait3A_492 = tpu.memref_slice %arg3[%dma_wait3A_490, %dma_wait3A_491] : memref<80000x128xf32, #tpu.memory_space<hbm>> -> memref<80000x128xf32, #tpu.memory_space<hbm>>
      tpu.wait_indirect_dma semaphore(%arg12 : memref<!tpu.dma_semaphore, #tpu.memory_space<semaphore_mem>>) src(%dma_wait3A_492 : memref<80000x128xf32, #tpu.memory_space<hbm>>) dst(%dma_wait3A_486 : memref<64x128xf32, #tpu.memory_space<vmem>>)
      %lt3A_493 = arith.constant 39 : i32
      %lt3A_494 = arith.cmpi slt, %scan3A_332, %lt3A_493 : i32
      %convert_element_type3A_495 = arith.extui %lt3A_494 : i1 to i32
      %cond3A_496 = arith.constant 0 : i32
      %cond3A_497 = arith.cmpi ne, %convert_element_type3A_495, %cond3A_496 : i32
      scf.if %cond3A_497 {
        %add3A_527 = arith.constant 4 : i32
        %add3A_528 = arith.addi %mul3A_334, %add3A_527 : i32
        %sub3A_529 = arith.constant 1 : i32
        %sub3A_530 = arith.subi %add3A_528, %sub3A_529 : i32
        %add3A_531 = arith.constant 2 : i32
        %add3A_532 = arith.addi %sub3A_530, %add3A_531 : i32
        %jit3A_533 = arith.constant 2 : i32
        %div3A_534 = arith.divsi %add3A_532, %jit3A_533 : i32
        %sign3A_535 = arith.constant 0 : i32
        %sign3A_536 = arith.cmpi sgt, %add3A_532, %sign3A_535 : i32
        %sign3A_537 = arith.extui %sign3A_536 : i1 to i32
        %sign3A_538 = arith.constant 0 : i32
        %sign3A_539 = arith.cmpi slt, %add3A_532, %sign3A_538 : i32
        %sign3A_540 = arith.extui %sign3A_539 : i1 to i32
        %sign3A_541 = arith.subi %sign3A_537, %sign3A_540 : i32
        %sign3A_542 = arith.constant 0 : i32
        %sign3A_543 = arith.cmpi sgt, %jit3A_533, %sign3A_542 : i32
        %sign3A_544 = arith.extui %sign3A_543 : i1 to i32
        %sign3A_545 = arith.constant 0 : i32
        %sign3A_546 = arith.cmpi slt, %jit3A_533, %sign3A_545 : i32
        %sign3A_547 = arith.extui %sign3A_546 : i1 to i32
        %sign3A_548 = arith.subi %sign3A_544, %sign3A_547 : i32
        %ne3A_549 = arith.cmpi ne, %sign3A_541, %sign3A_548 : i32
        %rem3A_550 = arith.remsi %add3A_532, %jit3A_533 : i32
        %ne3A_551 = arith.constant 0 : i32
        %ne3A_552 = arith.cmpi ne, %rem3A_550, %ne3A_551 : i32
        %and3A_553 = arith.andi %ne3A_549, %ne3A_552 : i1
        %sub3A_554 = arith.constant 1 : i32
        %sub3A_555 = arith.subi %div3A_534, %sub3A_554 : i32
        %select_n3A_556 = arith.select %and3A_553, %sub3A_555, %div3A_534 : i32
        %and3A_557 = arith.constant 1 : i32
        %and3A_558 = arith.andi %add3A_532, %and3A_557 : i32
        %mul3A_559 = arith.constant 64 : i32
        %mul3A_560 = arith.muli %and3A_558, %mul3A_559 : i32
        %add3A_561 = arith.constant 0 : i32
        %add3A_562 = arith.addi %mul3A_560, %add3A_561 : i32
        %get3A_563 = arith.index_cast %select_n3A_556 : i32 to index
        %get3A_564 = arith.index_cast %add3A_562 : i32 to index
        %get3A_565 = tpu.vector_load %arg5[%get3A_563, %get3A_564] {strides = array<i32>} : memref<80x128xi32, #tpu.memory_space<vmem>>, vector<1x16xi32>,
        %get3A_566 = vector.shape_cast %get3A_565 : vector<1x16xi32> to vector<16xi32>
        %and3A_567 = arith.constant 8191 : i32
        %and3A_568 = vector.broadcast %and3A_567 : i32 to vector<16xi32>
        %and3A_569 = arith.andi %get3A_566, %and3A_568 : vector<16xi32>
        %swap3A_570 = arith.constant 1 : i32
        %swap3A_571 = arith.index_cast %swap3A_570 : i32 to index
        %swap3A_572 = arith.constant 0 : index
        %swap3A_573 = tpu.vector_load %arg6[%swap3A_571, %swap3A_572] {strides = array<i32>} : memref<4x64xi32, #tpu.memory_space<vmem>>, vector<1x16xi32>,
        %swap3A_574 = vector.shape_cast %swap3A_573 : vector<1x16xi32> to vector<16xi32>
        %swap3A_575 = vector.shape_cast %and3A_569 : vector<16xi32> to vector<1x16xi32>
        tpu.vector_store %arg6[%swap3A_571, %swap3A_572], %swap3A_575 {strides = array<i32>} : memref<4x64xi32, #tpu.memory_space<vmem>>, vector<1x16xi32>,
        %and3A_576 = arith.constant 16383 : i32
        %and3A_577 = vector.broadcast %and3A_576 : i32 to vector<16xi32>
        %and3A_578 = arith.andi %get3A_566, %and3A_577 : vector<16xi32>
        %swap3A_579 = arith.constant 1 : i32
        %swap3A_580 = arith.index_cast %swap3A_579 : i32 to index
        %swap3A_581 = arith.constant 0 : index
        %swap3A_582 = tpu.vector_load %arg7[%swap3A_580, %swap3A_581] {strides = array<i32>} : memref<4x64xi32, #tpu.memory_space<vmem>>, vector<1x16xi32>,
        %swap3A_583 = vector.shape_cast %swap3A_582 : vector<1x16xi32> to vector<16xi32>
        %swap3A_584 = vector.shape_cast %and3A_578 : vector<16xi32> to vector<1x16xi32>
        tpu.vector_store %arg7[%swap3A_580, %swap3A_581], %swap3A_584 {strides = array<i32>} : memref<4x64xi32, #tpu.memory_space<vmem>>, vector<1x16xi32>,
        %add3A_585 = arith.constant 16 : i32
        %add3A_586 = arith.addi %mul3A_560, %add3A_585 : i32
        %get3A_587 = arith.index_cast %select_n3A_556 : i32 to index
        %get3A_588 = arith.index_cast %add3A_586 : i32 to index
        %get3A_589 = tpu.vector_load %arg5[%get3A_587, %get3A_588] {strides = array<i32>} : memref<80x128xi32, #tpu.memory_space<vmem>>, vector<1x16xi32>,
        %get3A_590 = vector.shape_cast %get3A_589 : vector<1x16xi32> to vector<16xi32>
        %and3A_591 = arith.constant 8191 : i32
        %and3A_592 = vector.broadcast %and3A_591 : i32 to vector<16xi32>
        %and3A_593 = arith.andi %get3A_590, %and3A_592 : vector<16xi32>
        %swap3A_594 = arith.constant 1 : i32
        %swap3A_595 = arith.index_cast %swap3A_594 : i32 to index
        %swap3A_596 = arith.constant 16 : index
        %swap3A_597 = tpu.vector_load %arg6[%swap3A_595, %swap3A_596] {strides = array<i32>} : memref<4x64xi32, #tpu.memory_space<vmem>>, vector<1x16xi32>,
        %swap3A_598 = vector.shape_cast %swap3A_597 : vector<1x16xi32> to vector<16xi32>
        %swap3A_599 = vector.shape_cast %and3A_593 : vector<16xi32> to vector<1x16xi32>
        tpu.vector_store %arg6[%swap3A_595, %swap3A_596], %swap3A_599 {strides = array<i32>} : memref<4x64xi32, #tpu.memory_space<vmem>>, vector<1x16xi32>,
        %and3A_600 = arith.constant 16383 : i32
        %and3A_601 = vector.broadcast %and3A_600 : i32 to vector<16xi32>
        %and3A_602 = arith.andi %get3A_590, %and3A_601 : vector<16xi32>
        %swap3A_603 = arith.constant 1 : i32
        %swap3A_604 = arith.index_cast %swap3A_603 : i32 to index
        %swap3A_605 = arith.constant 16 : index
        %swap3A_606 = tpu.vector_load %arg7[%swap3A_604, %swap3A_605] {strides = array<i32>} : memref<4x64xi32, #tpu.memory_space<vmem>>, vector<1x16xi32>,
        %swap3A_607 = vector.shape_cast %swap3A_606 : vector<1x16xi32> to vector<16xi32>
        %swap3A_608 = vector.shape_cast %and3A_602 : vector<16xi32> to vector<1x16xi32>
        tpu.vector_store %arg7[%swap3A_604, %swap3A_605], %swap3A_608 {strides = array<i32>} : memref<4x64xi32, #tpu.memory_space<vmem>>, vector<1x16xi32>,
        %add3A_609 = arith.constant 32 : i32
        %add3A_610 = arith.addi %mul3A_560, %add3A_609 : i32
        %get3A_611 = arith.index_cast %select_n3A_556 : i32 to index
        %get3A_612 = arith.index_cast %add3A_610 : i32 to index
        %get3A_613 = tpu.vector_load %arg5[%get3A_611, %get3A_612] {strides = array<i32>} : memref<80x128xi32, #tpu.memory_space<vmem>>, vector<1x16xi32>,
        %get3A_614 = vector.shape_cast %get3A_613 : vector<1x16xi32> to vector<16xi32>
        %and3A_615 = arith.constant 8191 : i32
        %and3A_616 = vector.broadcast %and3A_615 : i32 to vector<16xi32>
        %and3A_617 = arith.andi %get3A_614, %and3A_616 : vector<16xi32>
        %swap3A_618 = arith.constant 1 : i32
        %swap3A_619 = arith.index_cast %swap3A_618 : i32 to index
        %swap3A_620 = arith.constant 32 : index
        %swap3A_621 = tpu.vector_load %arg6[%swap3A_619, %swap3A_620] {strides = array<i32>} : memref<4x64xi32, #tpu.memory_space<vmem>>, vector<1x16xi32>,
        %swap3A_622 = vector.shape_cast %swap3A_621 : vector<1x16xi32> to vector<16xi32>
        %swap3A_623 = vector.shape_cast %and3A_617 : vector<16xi32> to vector<1x16xi32>
        tpu.vector_store %arg6[%swap3A_619, %swap3A_620], %swap3A_623 {strides = array<i32>} : memref<4x64xi32, #tpu.memory_space<vmem>>, vector<1x16xi32>,
        %and3A_624 = arith.constant 16383 : i32
        %and3A_625 = vector.broadcast %and3A_624 : i32 to vector<16xi32>
        %and3A_626 = arith.andi %get3A_614, %and3A_625 : vector<16xi32>
        %swap3A_627 = arith.constant 1 : i32
        %swap3A_628 = arith.index_cast %swap3A_627 : i32 to index
        %swap3A_629 = arith.constant 32 : index
        %swap3A_630 = tpu.vector_load %arg7[%swap3A_628, %swap3A_629] {strides = array<i32>} : memref<4x64xi32, #tpu.memory_space<vmem>>, vector<1x16xi32>,
        %swap3A_631 = vector.shape_cast %swap3A_630 : vector<1x16xi32> to vector<16xi32>
        %swap3A_632 = vector.shape_cast %and3A_626 : vector<16xi32> to vector<1x16xi32>
        tpu.vector_store %arg7[%swap3A_628, %swap3A_629], %swap3A_632 {strides = array<i32>} : memref<4x64xi32, #tpu.memory_space<vmem>>, vector<1x16xi32>,
        %add3A_633 = arith.constant 48 : i32
        %add3A_634 = arith.addi %mul3A_560, %add3A_633 : i32
        %get3A_635 = arith.index_cast %select_n3A_556 : i32 to index
        %get3A_636 = arith.index_cast %add3A_634 : i32 to index
        %get3A_637 = tpu.vector_load %arg5[%get3A_635, %get3A_636] {strides = array<i32>} : memref<80x128xi32, #tpu.memory_space<vmem>>, vector<1x16xi32>,
        %get3A_638 = vector.shape_cast %get3A_637 : vector<1x16xi32> to vector<16xi32>
        %and3A_639 = arith.constant 8191 : i32
        %and3A_640 = vector.broadcast %and3A_639 : i32 to vector<16xi32>
        %and3A_641 = arith.andi %get3A_638, %and3A_640 : vector<16xi32>
        %swap3A_642 = arith.constant 1 : i32
        %swap3A_643 = arith.index_cast %swap3A_642 : i32 to index
        %swap3A_644 = arith.constant 48 : index
        %swap3A_645 = tpu.vector_load %arg6[%swap3A_643, %swap3A_644] {strides = array<i32>} : memref<4x64xi32, #tpu.memory_space<vmem>>, vector<1x16xi32>,
        %swap3A_646 = vector.shape_cast %swap3A_645 : vector<1x16xi32> to vector<16xi32>
        %swap3A_647 = vector.shape_cast %and3A_641 : vector<16xi32> to vector<1x16xi32>
        tpu.vector_store %arg6[%swap3A_643, %swap3A_644], %swap3A_647 {strides = array<i32>} : memref<4x64xi32, #tpu.memory_space<vmem>>, vector<1x16xi32>,
        %and3A_648 = arith.constant 16383 : i32
        %and3A_649 = vector.broadcast %and3A_648 : i32 to vector<16xi32>
        %and3A_650 = arith.andi %get3A_638, %and3A_649 : vector<16xi32>
        %swap3A_651 = arith.constant 1 : i32
        %swap3A_652 = arith.index_cast %swap3A_651 : i32 to index
        %swap3A_653 = arith.constant 48 : index
        %swap3A_654 = tpu.vector_load %arg7[%swap3A_652, %swap3A_653] {strides = array<i32>} : memref<4x64xi32, #tpu.memory_space<vmem>>, vector<1x16xi32>,
        %swap3A_655 = vector.shape_cast %swap3A_654 : vector<1x16xi32> to vector<16xi32>
        %swap3A_656 = vector.shape_cast %and3A_650 : vector<16xi32> to vector<1x16xi32>
        tpu.vector_store %arg7[%swap3A_652, %swap3A_653], %swap3A_656 {strides = array<i32>} : memref<4x64xi32, #tpu.memory_space<vmem>>, vector<1x16xi32>,
        %dma_start3A_657 = arith.constant 1 : i32
        %dma_start3A_658 = arith.constant 1 : i32
        %dma_start3A_659 = arith.constant 0 : i32
        %dma_start3A_660 = arith.constant 0 : i32
        %dma_start3A_661 = tpu.memref_slice %arg8[%dma_start3A_658, %dma_start3A_659, %dma_start3A_660] : memref<4x64x128xf32, #tpu.memory_space<vmem>> -> memref<1x64x128xf32, #tpu.memory_space<vmem>>
        %dma_start3A_662 = tpu.memref_squeeze %dma_start3A_661 : memref<1x64x128xf32, #tpu.memory_space<vmem>> -> memref<64x128xf32, #tpu.memory_space<vmem>>
        %dma_start3A_663 = arith.constant 0 : i32
        %dma_start3A_664 = tpu.memref_slice %arg6[%dma_start3A_657, %dma_start3A_663] : memref<4x64xi32, #tpu.memory_space<vmem>> -> memref<1x64xi32, #tpu.memory_space<vmem>>
        %dma_start3A_665 = tpu.memref_squeeze %dma_start3A_664 : memref<1x64xi32, #tpu.memory_space<vmem>> -> memref<64xi32, #tpu.memory_space<vmem>>
        %dma_start3A_666 = arith.constant 0 : i32
        %dma_start3A_667 = arith.constant 0 : i32
        %dma_start3A_668 = tpu.memref_slice %arg3[%dma_start3A_666, %dma_start3A_667] : memref<80000x128xf32, #tpu.memory_space<hbm>> -> memref<80000x128xf32, #tpu.memory_space<hbm>>
        tpu.enqueue_indirect_dma source(%dma_start3A_668 : memref<80000x128xf32, #tpu.memory_space<hbm>>) target(%dma_start3A_662 : memref<64x128xf32, #tpu.memory_space<vmem>>) offsets(%dma_start3A_665 : memref<64xi32, #tpu.memory_space<vmem>>) semaphore(%arg12 : memref<!tpu.dma_semaphore, #tpu.memory_space<semaphore_mem>>)
      } else {
      }
      %dma_wait3A_498 = arith.constant 2 : i32
      %dma_wait3A_499 = arith.constant 2 : i32
      %dma_wait3A_500 = arith.constant 0 : i32
      %dma_wait3A_501 = arith.constant 0 : i32
      %dma_wait3A_502 = tpu.memref_slice %arg8[%dma_wait3A_499, %dma_wait3A_500, %dma_wait3A_501] : memref<4x64x128xf32, #tpu.memory_space<vmem>> -> memref<1x64x128xf32, #tpu.memory_space<vmem>>
      %dma_wait3A_503 = tpu.memref_squeeze %dma_wait3A_502 : memref<1x64x128xf32, #tpu.memory_space<vmem>> -> memref<64x128xf32, #tpu.memory_space<vmem>>
      %dma_wait3A_504 = arith.constant 0 : i32
      %dma_wait3A_505 = tpu.memref_slice %arg6[%dma_wait3A_498, %dma_wait3A_504] : memref<4x64xi32, #tpu.memory_space<vmem>> -> memref<1x64xi32, #tpu.memory_space<vmem>>
      %dma_wait3A_506 = tpu.memref_squeeze %dma_wait3A_505 : memref<1x64xi32, #tpu.memory_space<vmem>> -> memref<64xi32, #tpu.memory_space<vmem>>
      %dma_wait3A_507 = arith.constant 0 : i32
      %dma_wait3A_508 = arith.constant 0 : i32
      %dma_wait3A_509 = tpu.memref_slice %arg3[%dma_wait3A_507, %dma_wait3A_508] : memref<80000x128xf32, #tpu.memory_space<hbm>> -> memref<80000x128xf32, #tpu.memory_space<hbm>>
      tpu.wait_indirect_dma semaphore(%arg13 : memref<!tpu.dma_semaphore, #tpu.memory_space<semaphore_mem>>) src(%dma_wait3A_509 : memref<80000x128xf32, #tpu.memory_space<hbm>>) dst(%dma_wait3A_503 : memref<64x128xf32, #tpu.memory_space<vmem>>)
      %lt3A_510 = arith.constant 39 : i32
      %lt3A_511 = arith.cmpi slt, %scan3A_332, %lt3A_510 : i32
      %convert_element_type3A_512 = arith.extui %lt3A_511 : i1 to i32
      %cond3A_513 = arith.constant 0 : i32
      %cond3A_514 = arith.cmpi ne, %convert_element_type3A_512, %cond3A_513 : i32
      scf.if %cond3A_514 {
        %add3A_527 = arith.constant 4 : i32
        %add3A_528 = arith.addi %mul3A_334, %add3A_527 : i32
        %sub3A_529 = arith.constant 1 : i32
        %sub3A_530 = arith.subi %add3A_528, %sub3A_529 : i32
        %add3A_531 = arith.constant 3 : i32
        %add3A_532 = arith.addi %sub3A_530, %add3A_531 : i32
        %jit3A_533 = arith.constant 2 : i32
        %div3A_534 = arith.divsi %add3A_532, %jit3A_533 : i32
        %sign3A_535 = arith.constant 0 : i32
        %sign3A_536 = arith.cmpi sgt, %add3A_532, %sign3A_535 : i32
        %sign3A_537 = arith.extui %sign3A_536 : i1 to i32
        %sign3A_538 = arith.constant 0 : i32
        %sign3A_539 = arith.cmpi slt, %add3A_532, %sign3A_538 : i32
        %sign3A_540 = arith.extui %sign3A_539 : i1 to i32
        %sign3A_541 = arith.subi %sign3A_537, %sign3A_540 : i32
        %sign3A_542 = arith.constant 0 : i32
        %sign3A_543 = arith.cmpi sgt, %jit3A_533, %sign3A_542 : i32
        %sign3A_544 = arith.extui %sign3A_543 : i1 to i32
        %sign3A_545 = arith.constant 0 : i32
        %sign3A_546 = arith.cmpi slt, %jit3A_533, %sign3A_545 : i32
        %sign3A_547 = arith.extui %sign3A_546 : i1 to i32
        %sign3A_548 = arith.subi %sign3A_544, %sign3A_547 : i32
        %ne3A_549 = arith.cmpi ne, %sign3A_541, %sign3A_548 : i32
        %rem3A_550 = arith.remsi %add3A_532, %jit3A_533 : i32
        %ne3A_551 = arith.constant 0 : i32
        %ne3A_552 = arith.cmpi ne, %rem3A_550, %ne3A_551 : i32
        %and3A_553 = arith.andi %ne3A_549, %ne3A_552 : i1
        %sub3A_554 = arith.constant 1 : i32
        %sub3A_555 = arith.subi %div3A_534, %sub3A_554 : i32
        %select_n3A_556 = arith.select %and3A_553, %sub3A_555, %div3A_534 : i32
        %and3A_557 = arith.constant 1 : i32
        %and3A_558 = arith.andi %add3A_532, %and3A_557 : i32
        %mul3A_559 = arith.constant 64 : i32
        %mul3A_560 = arith.muli %and3A_558, %mul3A_559 : i32
        %add3A_561 = arith.constant 0 : i32
        %add3A_562 = arith.addi %mul3A_560, %add3A_561 : i32
        %get3A_563 = arith.index_cast %select_n3A_556 : i32 to index
        %get3A_564 = arith.index_cast %add3A_562 : i32 to index
        %get3A_565 = tpu.vector_load %arg5[%get3A_563, %get3A_564] {strides = array<i32>} : memref<80x128xi32, #tpu.memory_space<vmem>>, vector<1x16xi32>,
        %get3A_566 = vector.shape_cast %get3A_565 : vector<1x16xi32> to vector<16xi32>
        %and3A_567 = arith.constant 8191 : i32
        %and3A_568 = vector.broadcast %and3A_567 : i32 to vector<16xi32>
        %and3A_569 = arith.andi %get3A_566, %and3A_568 : vector<16xi32>
        %swap3A_570 = arith.constant 2 : i32
        %swap3A_571 = arith.index_cast %swap3A_570 : i32 to index
        %swap3A_572 = arith.constant 0 : index
        %swap3A_573 = tpu.vector_load %arg6[%swap3A_571, %swap3A_572] {strides = array<i32>} : memref<4x64xi32, #tpu.memory_space<vmem>>, vector<1x16xi32>,
        %swap3A_574 = vector.shape_cast %swap3A_573 : vector<1x16xi32> to vector<16xi32>
        %swap3A_575 = vector.shape_cast %and3A_569 : vector<16xi32> to vector<1x16xi32>
        tpu.vector_store %arg6[%swap3A_571, %swap3A_572], %swap3A_575 {strides = array<i32>} : memref<4x64xi32, #tpu.memory_space<vmem>>, vector<1x16xi32>,
        %and3A_576 = arith.constant 16383 : i32
        %and3A_577 = vector.broadcast %and3A_576 : i32 to vector<16xi32>
        %and3A_578 = arith.andi %get3A_566, %and3A_577 : vector<16xi32>
        %swap3A_579 = arith.constant 2 : i32
        %swap3A_580 = arith.index_cast %swap3A_579 : i32 to index
        %swap3A_581 = arith.constant 0 : index
        %swap3A_582 = tpu.vector_load %arg7[%swap3A_580, %swap3A_581] {strides = array<i32>} : memref<4x64xi32, #tpu.memory_space<vmem>>, vector<1x16xi32>,
        %swap3A_583 = vector.shape_cast %swap3A_582 : vector<1x16xi32> to vector<16xi32>
        %swap3A_584 = vector.shape_cast %and3A_578 : vector<16xi32> to vector<1x16xi32>
        tpu.vector_store %arg7[%swap3A_580, %swap3A_581], %swap3A_584 {strides = array<i32>} : memref<4x64xi32, #tpu.memory_space<vmem>>, vector<1x16xi32>,
        %add3A_585 = arith.constant 16 : i32
        %add3A_586 = arith.addi %mul3A_560, %add3A_585 : i32
        %get3A_587 = arith.index_cast %select_n3A_556 : i32 to index
        %get3A_588 = arith.index_cast %add3A_586 : i32 to index
        %get3A_589 = tpu.vector_load %arg5[%get3A_587, %get3A_588] {strides = array<i32>} : memref<80x128xi32, #tpu.memory_space<vmem>>, vector<1x16xi32>,
        %get3A_590 = vector.shape_cast %get3A_589 : vector<1x16xi32> to vector<16xi32>
        %and3A_591 = arith.constant 8191 : i32
        %and3A_592 = vector.broadcast %and3A_591 : i32 to vector<16xi32>
        %and3A_593 = arith.andi %get3A_590, %and3A_592 : vector<16xi32>
        %swap3A_594 = arith.constant 2 : i32
        %swap3A_595 = arith.index_cast %swap3A_594 : i32 to index
        %swap3A_596 = arith.constant 16 : index
        %swap3A_597 = tpu.vector_load %arg6[%swap3A_595, %swap3A_596] {strides = array<i32>} : memref<4x64xi32, #tpu.memory_space<vmem>>, vector<1x16xi32>,
        %swap3A_598 = vector.shape_cast %swap3A_597 : vector<1x16xi32> to vector<16xi32>
        %swap3A_599 = vector.shape_cast %and3A_593 : vector<16xi32> to vector<1x16xi32>
        tpu.vector_store %arg6[%swap3A_595, %swap3A_596], %swap3A_599 {strides = array<i32>} : memref<4x64xi32, #tpu.memory_space<vmem>>, vector<1x16xi32>,
        %and3A_600 = arith.constant 16383 : i32
        %and3A_601 = vector.broadcast %and3A_600 : i32 to vector<16xi32>
        %and3A_602 = arith.andi %get3A_590, %and3A_601 : vector<16xi32>
        %swap3A_603 = arith.constant 2 : i32
        %swap3A_604 = arith.index_cast %swap3A_603 : i32 to index
        %swap3A_605 = arith.constant 16 : index
        %swap3A_606 = tpu.vector_load %arg7[%swap3A_604, %swap3A_605] {strides = array<i32>} : memref<4x64xi32, #tpu.memory_space<vmem>>, vector<1x16xi32>,
        %swap3A_607 = vector.shape_cast %swap3A_606 : vector<1x16xi32> to vector<16xi32>
        %swap3A_608 = vector.shape_cast %and3A_602 : vector<16xi32> to vector<1x16xi32>
        tpu.vector_store %arg7[%swap3A_604, %swap3A_605], %swap3A_608 {strides = array<i32>} : memref<4x64xi32, #tpu.memory_space<vmem>>, vector<1x16xi32>,
        %add3A_609 = arith.constant 32 : i32
        %add3A_610 = arith.addi %mul3A_560, %add3A_609 : i32
        %get3A_611 = arith.index_cast %select_n3A_556 : i32 to index
        %get3A_612 = arith.index_cast %add3A_610 : i32 to index
        %get3A_613 = tpu.vector_load %arg5[%get3A_611, %get3A_612] {strides = array<i32>} : memref<80x128xi32, #tpu.memory_space<vmem>>, vector<1x16xi32>,
        %get3A_614 = vector.shape_cast %get3A_613 : vector<1x16xi32> to vector<16xi32>
        %and3A_615 = arith.constant 8191 : i32
        %and3A_616 = vector.broadcast %and3A_615 : i32 to vector<16xi32>
        %and3A_617 = arith.andi %get3A_614, %and3A_616 : vector<16xi32>
        %swap3A_618 = arith.constant 2 : i32
        %swap3A_619 = arith.index_cast %swap3A_618 : i32 to index
        %swap3A_620 = arith.constant 32 : index
        %swap3A_621 = tpu.vector_load %arg6[%swap3A_619, %swap3A_620] {strides = array<i32>} : memref<4x64xi32, #tpu.memory_space<vmem>>, vector<1x16xi32>,
        %swap3A_622 = vector.shape_cast %swap3A_621 : vector<1x16xi32> to vector<16xi32>
        %swap3A_623 = vector.shape_cast %and3A_617 : vector<16xi32> to vector<1x16xi32>
        tpu.vector_store %arg6[%swap3A_619, %swap3A_620], %swap3A_623 {strides = array<i32>} : memref<4x64xi32, #tpu.memory_space<vmem>>, vector<1x16xi32>,
        %and3A_624 = arith.constant 16383 : i32
        %and3A_625 = vector.broadcast %and3A_624 : i32 to vector<16xi32>
        %and3A_626 = arith.andi %get3A_614, %and3A_625 : vector<16xi32>
        %swap3A_627 = arith.constant 2 : i32
        %swap3A_628 = arith.index_cast %swap3A_627 : i32 to index
        %swap3A_629 = arith.constant 32 : index
        %swap3A_630 = tpu.vector_load %arg7[%swap3A_628, %swap3A_629] {strides = array<i32>} : memref<4x64xi32, #tpu.memory_space<vmem>>, vector<1x16xi32>,
        %swap3A_631 = vector.shape_cast %swap3A_630 : vector<1x16xi32> to vector<16xi32>
        %swap3A_632 = vector.shape_cast %and3A_626 : vector<16xi32> to vector<1x16xi32>
        tpu.vector_store %arg7[%swap3A_628, %swap3A_629], %swap3A_632 {strides = array<i32>} : memref<4x64xi32, #tpu.memory_space<vmem>>, vector<1x16xi32>,
        %add3A_633 = arith.constant 48 : i32
        %add3A_634 = arith.addi %mul3A_560, %add3A_633 : i32
        %get3A_635 = arith.index_cast %select_n3A_556 : i32 to index
        %get3A_636 = arith.index_cast %add3A_634 : i32 to index
        %get3A_637 = tpu.vector_load %arg5[%get3A_635, %get3A_636] {strides = array<i32>} : memref<80x128xi32, #tpu.memory_space<vmem>>, vector<1x16xi32>,
        %get3A_638 = vector.shape_cast %get3A_637 : vector<1x16xi32> to vector<16xi32>
        %and3A_639 = arith.constant 8191 : i32
        %and3A_640 = vector.broadcast %and3A_639 : i32 to vector<16xi32>
        %and3A_641 = arith.andi %get3A_638, %and3A_640 : vector<16xi32>
        %swap3A_642 = arith.constant 2 : i32
        %swap3A_643 = arith.index_cast %swap3A_642 : i32 to index
        %swap3A_644 = arith.constant 48 : index
        %swap3A_645 = tpu.vector_load %arg6[%swap3A_643, %swap3A_644] {strides = array<i32>} : memref<4x64xi32, #tpu.memory_space<vmem>>, vector<1x16xi32>,
        %swap3A_646 = vector.shape_cast %swap3A_645 : vector<1x16xi32> to vector<16xi32>
        %swap3A_647 = vector.shape_cast %and3A_641 : vector<16xi32> to vector<1x16xi32>
        tpu.vector_store %arg6[%swap3A_643, %swap3A_644], %swap3A_647 {strides = array<i32>} : memref<4x64xi32, #tpu.memory_space<vmem>>, vector<1x16xi32>,
        %and3A_648 = arith.constant 16383 : i32
        %and3A_649 = vector.broadcast %and3A_648 : i32 to vector<16xi32>
        %and3A_650 = arith.andi %get3A_638, %and3A_649 : vector<16xi32>
        %swap3A_651 = arith.constant 2 : i32
        %swap3A_652 = arith.index_cast %swap3A_651 : i32 to index
        %swap3A_653 = arith.constant 48 : index
        %swap3A_654 = tpu.vector_load %arg7[%swap3A_652, %swap3A_653] {strides = array<i32>} : memref<4x64xi32, #tpu.memory_space<vmem>>, vector<1x16xi32>,
        %swap3A_655 = vector.shape_cast %swap3A_654 : vector<1x16xi32> to vector<16xi32>
        %swap3A_656 = vector.shape_cast %and3A_650 : vector<16xi32> to vector<1x16xi32>
        tpu.vector_store %arg7[%swap3A_652, %swap3A_653], %swap3A_656 {strides = array<i32>} : memref<4x64xi32, #tpu.memory_space<vmem>>, vector<1x16xi32>,
        %dma_start3A_657 = arith.constant 2 : i32
        %dma_start3A_658 = arith.constant 2 : i32
        %dma_start3A_659 = arith.constant 0 : i32
        %dma_start3A_660 = arith.constant 0 : i32
        %dma_start3A_661 = tpu.memref_slice %arg8[%dma_start3A_658, %dma_start3A_659, %dma_start3A_660] : memref<4x64x128xf32, #tpu.memory_space<vmem>> -> memref<1x64x128xf32, #tpu.memory_space<vmem>>
        %dma_start3A_662 = tpu.memref_squeeze %dma_start3A_661 : memref<1x64x128xf32, #tpu.memory_space<vmem>> -> memref<64x128xf32, #tpu.memory_space<vmem>>
        %dma_start3A_663 = arith.constant 0 : i32
        %dma_start3A_664 = tpu.memref_slice %arg6[%dma_start3A_657, %dma_start3A_663] : memref<4x64xi32, #tpu.memory_space<vmem>> -> memref<1x64xi32, #tpu.memory_space<vmem>>
        %dma_start3A_665 = tpu.memref_squeeze %dma_start3A_664 : memref<1x64xi32, #tpu.memory_space<vmem>> -> memref<64xi32, #tpu.memory_space<vmem>>
        %dma_start3A_666 = arith.constant 0 : i32
        %dma_start3A_667 = arith.constant 0 : i32
        %dma_start3A_668 = tpu.memref_slice %arg3[%dma_start3A_666, %dma_start3A_667] : memref<80000x128xf32, #tpu.memory_space<hbm>> -> memref<80000x128xf32, #tpu.memory_space<hbm>>
        tpu.enqueue_indirect_dma source(%dma_start3A_668 : memref<80000x128xf32, #tpu.memory_space<hbm>>) target(%dma_start3A_662 : memref<64x128xf32, #tpu.memory_space<vmem>>) offsets(%dma_start3A_665 : memref<64xi32, #tpu.memory_space<vmem>>) semaphore(%arg13 : memref<!tpu.dma_semaphore, #tpu.memory_space<semaphore_mem>>)
      } else {
      }
      %dma_wait3A_515 = arith.constant 3 : i32
      %dma_wait3A_516 = arith.constant 3 : i32
      %dma_wait3A_517 = arith.constant 0 : i32
      %dma_wait3A_518 = arith.constant 0 : i32
      %dma_wait3A_519 = tpu.memref_slice %arg8[%dma_wait3A_516, %dma_wait3A_517, %dma_wait3A_518] : memref<4x64x128xf32, #tpu.memory_space<vmem>> -> memref<1x64x128xf32, #tpu.memory_space<vmem>>
      %dma_wait3A_520 = tpu.memref_squeeze %dma_wait3A_519 : memref<1x64x128xf32, #tpu.memory_space<vmem>> -> memref<64x128xf32, #tpu.memory_space<vmem>>
      %dma_wait3A_521 = arith.constant 0 : i32
      %dma_wait3A_522 = tpu.memref_slice %arg6[%dma_wait3A_515, %dma_wait3A_521] : memref<4x64xi32, #tpu.memory_space<vmem>> -> memref<1x64xi32, #tpu.memory_space<vmem>>
      %dma_wait3A_523 = tpu.memref_squeeze %dma_wait3A_522 : memref<1x64xi32, #tpu.memory_space<vmem>> -> memref<64xi32, #tpu.memory_space<vmem>>
      %dma_wait3A_524 = arith.constant 0 : i32
      %dma_wait3A_525 = arith.constant 0 : i32
      %dma_wait3A_526 = tpu.memref_slice %arg3[%dma_wait3A_524, %dma_wait3A_525] : memref<80000x128xf32, #tpu.memory_space<hbm>> -> memref<80000x128xf32, #tpu.memory_space<hbm>>
      tpu.wait_indirect_dma semaphore(%arg14 : memref<!tpu.dma_semaphore, #tpu.memory_space<semaphore_mem>>) src(%dma_wait3A_526 : memref<80000x128xf32, #tpu.memory_space<hbm>>) dst(%dma_wait3A_520 : memref<64x128xf32, #tpu.memory_space<vmem>>)
    }
    %scan3A_326 = arith.constant 40 : i32
    %barrier3A_327 = arith.constant 0 : index
    tpu.barrier barrier_id(%barrier3A_327)
    %mul3A_328 = arith.constant 128 : i32
    %mul3A_329 = arith.muli %arg1, %mul3A_328 : i32
    %mul3A_330 = arith.constant 128 : i32
    %mul3A_331 = arith.muli %arg1, %mul3A_330 : i32
    "tpu.region"() ({
      %run_scoped3A = tpu.sem_alloc : memref<!tpu.dma_semaphore, #tpu.memory_space<semaphore_mem>>
      %dma_start3A_332 = arith.constant 0 : i32
      %dma_start3A_333 = tpu.memref_slice %arg4[%arg0, %mul3A_331, %dma_start3A_332] : memref<2x10112x128xf32, #tpu.memory_space<hbm>> -> memref<1x128x128xf32, #tpu.memory_space<hbm>>
      %dma_start3A_334 = tpu.memref_squeeze %dma_start3A_333 : memref<1x128x128xf32, #tpu.memory_space<hbm>> -> memref<128x128xf32, #tpu.memory_space<hbm>>
      %dma_start3A_335 = arith.constant 0 : i32
      %dma_start3A_336 = tpu.memref_slice %arg9[%mul3A_329, %dma_start3A_335] : memref<2048x128xf32, #tpu.memory_space<vmem_shared>> -> memref<128x128xf32, #tpu.memory_space<vmem_shared>>
      tpu.enqueue_dma source(%dma_start3A_336 : memref<128x128xf32, #tpu.memory_space<vmem_shared>>) target(%dma_start3A_334 : memref<128x128xf32, #tpu.memory_space<hbm>>) target_semaphore(%run_scoped3A : memref<!tpu.dma_semaphore, #tpu.memory_space<semaphore_mem>>)
      %dma_wait3A = arith.constant 0 : i32
      %dma_wait3A_337 = tpu.memref_slice %arg4[%arg0, %mul3A_331, %dma_wait3A] : memref<2x10112x128xf32, #tpu.memory_space<hbm>> -> memref<1x128x128xf32, #tpu.memory_space<hbm>>
      %dma_wait3A_338 = tpu.memref_squeeze %dma_wait3A_337 : memref<1x128x128xf32, #tpu.memory_space<hbm>> -> memref<128x128xf32, #tpu.memory_space<hbm>>
      %dma_wait3A_339 = arith.constant 0 : i32
      %dma_wait3A_340 = tpu.memref_slice %arg9[%mul3A_329, %dma_wait3A_339] : memref<2048x128xf32, #tpu.memory_space<vmem_shared>> -> memref<128x128xf32, #tpu.memory_space<vmem_shared>>
      tpu.wait_dma2 semaphore(%run_scoped3A : memref<!tpu.dma_semaphore, #tpu.memory_space<semaphore_mem>>) src(%dma_wait3A_340 : memref<128x128xf32, #tpu.memory_space<vmem_shared>>) dst(%dma_wait3A_338 : memref<128x128xf32, #tpu.memory_space<hbm>>)
      tpu.yield
    }) : () -> ()
    return
  }
}

module attributes {stable_mosaic.version = 14 : i64} {
  func.func @_mm_body(%arg0: i32, %arg1: memref<1000x128xf32, #tpu.memory_space<vmem>>, %arg2: memref<3x128x128xf32, #tpu.memory_space<vmem>>, %arg3: memref<8x3xf32, #tpu.memory_space<smem>>, %arg4: memref<1000x1024xf32, #tpu.memory_space<vmem>>) attributes {dimension_semantics = [#tpu.dimension_semantics<arbitrary>], iteration_bounds = array<i64: 10>, scalar_prefetch = 0 : i64, scratch_operands = 0 : i64, tpu.core_type = #tpu.core_type<tc>, window_params = [{transform_indices = @transform_0, window_bounds = array<i64: 1000, 128>}, {pipeline_mode = #tpu.pipeline_mode<synchronous>, transform_indices = @transform_1, window_bounds = array<i64: 3, 128, 128>}, {transform_indices = @transform_2, window_bounds = array<i64: 8, 3>}, {transform_indices = @transform_3, window_bounds = array<i64: 1000, 1024>}]} {
    %get3A = arith.constant 0 : index
    %get3A_0 = arith.constant 0 : index
    %get3A_1 = vector.load %arg1[%get3A, %get3A_0] : memref<1000x128xf32, #tpu.memory_space<vmem>>, vector<1000x128xf32>
    %get3A_2 = arith.constant 0 : index
    %get3A_3 = arith.constant 0 : index
    %get3A_4 = arith.constant 0 : index
    %get3A_5 = vector.load %arg2[%get3A_2, %get3A_3, %get3A_4] : memref<3x128x128xf32, #tpu.memory_space<vmem>>, vector<1x128x128xf32>
    %get3A_6 = vector.shape_cast %get3A_5 : vector<1x128x128xf32> to vector<128x128xf32>
    %dot_general3A = arith.constant dense<0.000000e+00> : vector<1000x128xf32>
    %dot_general3A_7 = tpu.matmul %get3A_1, %get3A_6, %dot_general3A {dimension_numbers = #tpu.dot_dimension_numbers<[1], [0], [0], [1], [0, 0, 1, 1], [], []>, transpose_lhs_hint = false} : vector<1000x128xf32>, vector<128x128xf32>, vector<1000x128xf32> -> vector<1000x128xf32>
    %get3A_8 = arith.constant 0 : index
    %get3A_9 = arith.constant 0 : index
    %get3A_10 = vector.load %arg1[%get3A_8, %get3A_9] : memref<1000x128xf32, #tpu.memory_space<vmem>>, vector<1000x128xf32>
    %get3A_11 = arith.constant 1 : index
    %get3A_12 = arith.constant 0 : index
    %get3A_13 = arith.constant 0 : index
    %get3A_14 = vector.load %arg2[%get3A_11, %get3A_12, %get3A_13] : memref<3x128x128xf32, #tpu.memory_space<vmem>>, vector<1x128x128xf32>
    %get3A_15 = vector.shape_cast %get3A_14 : vector<1x128x128xf32> to vector<128x128xf32>
    %dot_general3A_16 = arith.constant dense<0.000000e+00> : vector<1000x128xf32>
    %dot_general3A_17 = tpu.matmul %get3A_10, %get3A_15, %dot_general3A_16 {dimension_numbers = #tpu.dot_dimension_numbers<[1], [0], [0], [1], [0, 0, 1, 1], [], []>, transpose_lhs_hint = false} : vector<1000x128xf32>, vector<128x128xf32>, vector<1000x128xf32> -> vector<1000x128xf32>
    %get3A_18 = arith.constant 0 : index
    %get3A_19 = arith.constant 0 : index
    %get3A_20 = vector.load %arg1[%get3A_18, %get3A_19] : memref<1000x128xf32, #tpu.memory_space<vmem>>, vector<1000x128xf32>
    %get3A_21 = arith.constant 2 : index
    %get3A_22 = arith.constant 0 : index
    %get3A_23 = arith.constant 0 : index
    %get3A_24 = vector.load %arg2[%get3A_21, %get3A_22, %get3A_23] : memref<3x128x128xf32, #tpu.memory_space<vmem>>, vector<1x128x128xf32>
    %get3A_25 = vector.shape_cast %get3A_24 : vector<1x128x128xf32> to vector<128x128xf32>
    %dot_general3A_26 = arith.constant dense<0.000000e+00> : vector<1000x128xf32>
    %dot_general3A_27 = tpu.matmul %get3A_20, %get3A_25, %dot_general3A_26 {dimension_numbers = #tpu.dot_dimension_numbers<[1], [0], [0], [1], [0, 0, 1, 1], [], []>, transpose_lhs_hint = false} : vector<1000x128xf32>, vector<128x128xf32>, vector<1000x128xf32> -> vector<1000x128xf32>
    %get3A_28 = arith.constant 0 : index
    %get3A_29 = arith.constant 0 : index
    %get3A_30 = memref.load %arg3[%get3A_28, %get3A_29] : memref<8x3xf32, #tpu.memory_space<smem>>
    %mul3A = vector.broadcast %get3A_30 : f32 to vector<1000x128xf32>
    %mul3A_31 = arith.mulf %mul3A, %dot_general3A_7 : vector<1000x128xf32>
    %get3A_32 = arith.constant 0 : index
    %get3A_33 = arith.constant 1 : index
    %get3A_34 = memref.load %arg3[%get3A_32, %get3A_33] : memref<8x3xf32, #tpu.memory_space<smem>>
    %mul3A_35 = vector.broadcast %get3A_34 : f32 to vector<1000x128xf32>
    %mul3A_36 = arith.mulf %mul3A_35, %dot_general3A_17 : vector<1000x128xf32>
    %add3A = arith.addf %mul3A_31, %mul3A_36 : vector<1000x128xf32>
    %get3A_37 = arith.constant 0 : index
    %get3A_38 = arith.constant 2 : index
    %get3A_39 = memref.load %arg3[%get3A_37, %get3A_38] : memref<8x3xf32, #tpu.memory_space<smem>>
    %mul3A_40 = vector.broadcast %get3A_39 : f32 to vector<1000x128xf32>
    %mul3A_41 = arith.mulf %mul3A_40, %dot_general3A_27 : vector<1000x128xf32>
    %add3A_42 = arith.addf %add3A, %mul3A_41 : vector<1000x128xf32>
    %swap3A = arith.constant 0 : index
    %swap3A_43 = arith.constant 0 : index
    %swap3A_44 = vector.load %arg4[%swap3A, %swap3A_43] : memref<1000x1024xf32, #tpu.memory_space<vmem>>, vector<1000x128xf32>
    tpu.vector_store %arg4[%swap3A, %swap3A_43], %add3A_42 {strides = array<i32>} : memref<1000x1024xf32, #tpu.memory_space<vmem>>, vector<1000x128xf32>,
    %get3A_45 = arith.constant 1 : index
    %get3A_46 = arith.constant 0 : index
    %get3A_47 = memref.load %arg3[%get3A_45, %get3A_46] : memref<8x3xf32, #tpu.memory_space<smem>>
    %mul3A_48 = vector.broadcast %get3A_47 : f32 to vector<1000x128xf32>
    %mul3A_49 = arith.mulf %mul3A_48, %dot_general3A_7 : vector<1000x128xf32>
    %get3A_50 = arith.constant 1 : index
    %get3A_51 = arith.constant 1 : index
    %get3A_52 = memref.load %arg3[%get3A_50, %get3A_51] : memref<8x3xf32, #tpu.memory_space<smem>>
    %mul3A_53 = vector.broadcast %get3A_52 : f32 to vector<1000x128xf32>
    %mul3A_54 = arith.mulf %mul3A_53, %dot_general3A_17 : vector<1000x128xf32>
    %add3A_55 = arith.addf %mul3A_49, %mul3A_54 : vector<1000x128xf32>
    %get3A_56 = arith.constant 1 : index
    %get3A_57 = arith.constant 2 : index
    %get3A_58 = memref.load %arg3[%get3A_56, %get3A_57] : memref<8x3xf32, #tpu.memory_space<smem>>
    %mul3A_59 = vector.broadcast %get3A_58 : f32 to vector<1000x128xf32>
    %mul3A_60 = arith.mulf %mul3A_59, %dot_general3A_27 : vector<1000x128xf32>
    %add3A_61 = arith.addf %add3A_55, %mul3A_60 : vector<1000x128xf32>
    %swap3A_62 = arith.constant 0 : index
    %swap3A_63 = arith.constant 128 : index
    %swap3A_64 = vector.load %arg4[%swap3A_62, %swap3A_63] : memref<1000x1024xf32, #tpu.memory_space<vmem>>, vector<1000x128xf32>
    tpu.vector_store %arg4[%swap3A_62, %swap3A_63], %add3A_61 {strides = array<i32>} : memref<1000x1024xf32, #tpu.memory_space<vmem>>, vector<1000x128xf32>,
    %get3A_65 = arith.constant 2 : index
    %get3A_66 = arith.constant 0 : index
    %get3A_67 = memref.load %arg3[%get3A_65, %get3A_66] : memref<8x3xf32, #tpu.memory_space<smem>>
    %mul3A_68 = vector.broadcast %get3A_67 : f32 to vector<1000x128xf32>
    %mul3A_69 = arith.mulf %mul3A_68, %dot_general3A_7 : vector<1000x128xf32>
    %get3A_70 = arith.constant 2 : index
    %get3A_71 = arith.constant 1 : index
    %get3A_72 = memref.load %arg3[%get3A_70, %get3A_71] : memref<8x3xf32, #tpu.memory_space<smem>>
    %mul3A_73 = vector.broadcast %get3A_72 : f32 to vector<1000x128xf32>
    %mul3A_74 = arith.mulf %mul3A_73, %dot_general3A_17 : vector<1000x128xf32>
    %add3A_75 = arith.addf %mul3A_69, %mul3A_74 : vector<1000x128xf32>
    %get3A_76 = arith.constant 2 : index
    %get3A_77 = arith.constant 2 : index
    %get3A_78 = memref.load %arg3[%get3A_76, %get3A_77] : memref<8x3xf32, #tpu.memory_space<smem>>
    %mul3A_79 = vector.broadcast %get3A_78 : f32 to vector<1000x128xf32>
    %mul3A_80 = arith.mulf %mul3A_79, %dot_general3A_27 : vector<1000x128xf32>
    %add3A_81 = arith.addf %add3A_75, %mul3A_80 : vector<1000x128xf32>
    %swap3A_82 = arith.constant 0 : index
    %swap3A_83 = arith.constant 256 : index
    %swap3A_84 = vector.load %arg4[%swap3A_82, %swap3A_83] : memref<1000x1024xf32, #tpu.memory_space<vmem>>, vector<1000x128xf32>
    tpu.vector_store %arg4[%swap3A_82, %swap3A_83], %add3A_81 {strides = array<i32>} : memref<1000x1024xf32, #tpu.memory_space<vmem>>, vector<1000x128xf32>,
    %get3A_85 = arith.constant 3 : index
    %get3A_86 = arith.constant 0 : index
    %get3A_87 = memref.load %arg3[%get3A_85, %get3A_86] : memref<8x3xf32, #tpu.memory_space<smem>>
    %mul3A_88 = vector.broadcast %get3A_87 : f32 to vector<1000x128xf32>
    %mul3A_89 = arith.mulf %mul3A_88, %dot_general3A_7 : vector<1000x128xf32>
    %get3A_90 = arith.constant 3 : index
    %get3A_91 = arith.constant 1 : index
    %get3A_92 = memref.load %arg3[%get3A_90, %get3A_91] : memref<8x3xf32, #tpu.memory_space<smem>>
    %mul3A_93 = vector.broadcast %get3A_92 : f32 to vector<1000x128xf32>
    %mul3A_94 = arith.mulf %mul3A_93, %dot_general3A_17 : vector<1000x128xf32>
    %add3A_95 = arith.addf %mul3A_89, %mul3A_94 : vector<1000x128xf32>
    %get3A_96 = arith.constant 3 : index
    %get3A_97 = arith.constant 2 : index
    %get3A_98 = memref.load %arg3[%get3A_96, %get3A_97] : memref<8x3xf32, #tpu.memory_space<smem>>
    %mul3A_99 = vector.broadcast %get3A_98 : f32 to vector<1000x128xf32>
    %mul3A_100 = arith.mulf %mul3A_99, %dot_general3A_27 : vector<1000x128xf32>
    %add3A_101 = arith.addf %add3A_95, %mul3A_100 : vector<1000x128xf32>
    %swap3A_102 = arith.constant 0 : index
    %swap3A_103 = arith.constant 384 : index
    %swap3A_104 = vector.load %arg4[%swap3A_102, %swap3A_103] : memref<1000x1024xf32, #tpu.memory_space<vmem>>, vector<1000x128xf32>
    tpu.vector_store %arg4[%swap3A_102, %swap3A_103], %add3A_101 {strides = array<i32>} : memref<1000x1024xf32, #tpu.memory_space<vmem>>, vector<1000x128xf32>,
    %get3A_105 = arith.constant 4 : index
    %get3A_106 = arith.constant 0 : index
    %get3A_107 = memref.load %arg3[%get3A_105, %get3A_106] : memref<8x3xf32, #tpu.memory_space<smem>>
    %mul3A_108 = vector.broadcast %get3A_107 : f32 to vector<1000x128xf32>
    %mul3A_109 = arith.mulf %mul3A_108, %dot_general3A_7 : vector<1000x128xf32>
    %get3A_110 = arith.constant 4 : index
    %get3A_111 = arith.constant 1 : index
    %get3A_112 = memref.load %arg3[%get3A_110, %get3A_111] : memref<8x3xf32, #tpu.memory_space<smem>>
    %mul3A_113 = vector.broadcast %get3A_112 : f32 to vector<1000x128xf32>
    %mul3A_114 = arith.mulf %mul3A_113, %dot_general3A_17 : vector<1000x128xf32>
    %add3A_115 = arith.addf %mul3A_109, %mul3A_114 : vector<1000x128xf32>
    %get3A_116 = arith.constant 4 : index
    %get3A_117 = arith.constant 2 : index
    %get3A_118 = memref.load %arg3[%get3A_116, %get3A_117] : memref<8x3xf32, #tpu.memory_space<smem>>
    %mul3A_119 = vector.broadcast %get3A_118 : f32 to vector<1000x128xf32>
    %mul3A_120 = arith.mulf %mul3A_119, %dot_general3A_27 : vector<1000x128xf32>
    %add3A_121 = arith.addf %add3A_115, %mul3A_120 : vector<1000x128xf32>
    %swap3A_122 = arith.constant 0 : index
    %swap3A_123 = arith.constant 512 : index
    %swap3A_124 = vector.load %arg4[%swap3A_122, %swap3A_123] : memref<1000x1024xf32, #tpu.memory_space<vmem>>, vector<1000x128xf32>
    tpu.vector_store %arg4[%swap3A_122, %swap3A_123], %add3A_121 {strides = array<i32>} : memref<1000x1024xf32, #tpu.memory_space<vmem>>, vector<1000x128xf32>,
    %get3A_125 = arith.constant 5 : index
    %get3A_126 = arith.constant 0 : index
    %get3A_127 = memref.load %arg3[%get3A_125, %get3A_126] : memref<8x3xf32, #tpu.memory_space<smem>>
    %mul3A_128 = vector.broadcast %get3A_127 : f32 to vector<1000x128xf32>
    %mul3A_129 = arith.mulf %mul3A_128, %dot_general3A_7 : vector<1000x128xf32>
    %get3A_130 = arith.constant 5 : index
    %get3A_131 = arith.constant 1 : index
    %get3A_132 = memref.load %arg3[%get3A_130, %get3A_131] : memref<8x3xf32, #tpu.memory_space<smem>>
    %mul3A_133 = vector.broadcast %get3A_132 : f32 to vector<1000x128xf32>
    %mul3A_134 = arith.mulf %mul3A_133, %dot_general3A_17 : vector<1000x128xf32>
    %add3A_135 = arith.addf %mul3A_129, %mul3A_134 : vector<1000x128xf32>
    %get3A_136 = arith.constant 5 : index
    %get3A_137 = arith.constant 2 : index
    %get3A_138 = memref.load %arg3[%get3A_136, %get3A_137] : memref<8x3xf32, #tpu.memory_space<smem>>
    %mul3A_139 = vector.broadcast %get3A_138 : f32 to vector<1000x128xf32>
    %mul3A_140 = arith.mulf %mul3A_139, %dot_general3A_27 : vector<1000x128xf32>
    %add3A_141 = arith.addf %add3A_135, %mul3A_140 : vector<1000x128xf32>
    %swap3A_142 = arith.constant 0 : index
    %swap3A_143 = arith.constant 640 : index
    %swap3A_144 = vector.load %arg4[%swap3A_142, %swap3A_143] : memref<1000x1024xf32, #tpu.memory_space<vmem>>, vector<1000x128xf32>
    tpu.vector_store %arg4[%swap3A_142, %swap3A_143], %add3A_141 {strides = array<i32>} : memref<1000x1024xf32, #tpu.memory_space<vmem>>, vector<1000x128xf32>,
    %get3A_145 = arith.constant 6 : index
    %get3A_146 = arith.constant 0 : index
    %get3A_147 = memref.load %arg3[%get3A_145, %get3A_146] : memref<8x3xf32, #tpu.memory_space<smem>>
    %mul3A_148 = vector.broadcast %get3A_147 : f32 to vector<1000x128xf32>
    %mul3A_149 = arith.mulf %mul3A_148, %dot_general3A_7 : vector<1000x128xf32>
    %get3A_150 = arith.constant 6 : index
    %get3A_151 = arith.constant 1 : index
    %get3A_152 = memref.load %arg3[%get3A_150, %get3A_151] : memref<8x3xf32, #tpu.memory_space<smem>>
    %mul3A_153 = vector.broadcast %get3A_152 : f32 to vector<1000x128xf32>
    %mul3A_154 = arith.mulf %mul3A_153, %dot_general3A_17 : vector<1000x128xf32>
    %add3A_155 = arith.addf %mul3A_149, %mul3A_154 : vector<1000x128xf32>
    %get3A_156 = arith.constant 6 : index
    %get3A_157 = arith.constant 2 : index
    %get3A_158 = memref.load %arg3[%get3A_156, %get3A_157] : memref<8x3xf32, #tpu.memory_space<smem>>
    %mul3A_159 = vector.broadcast %get3A_158 : f32 to vector<1000x128xf32>
    %mul3A_160 = arith.mulf %mul3A_159, %dot_general3A_27 : vector<1000x128xf32>
    %add3A_161 = arith.addf %add3A_155, %mul3A_160 : vector<1000x128xf32>
    %swap3A_162 = arith.constant 0 : index
    %swap3A_163 = arith.constant 768 : index
    %swap3A_164 = vector.load %arg4[%swap3A_162, %swap3A_163] : memref<1000x1024xf32, #tpu.memory_space<vmem>>, vector<1000x128xf32>
    tpu.vector_store %arg4[%swap3A_162, %swap3A_163], %add3A_161 {strides = array<i32>} : memref<1000x1024xf32, #tpu.memory_space<vmem>>, vector<1000x128xf32>,
    %get3A_165 = arith.constant 7 : index
    %get3A_166 = arith.constant 0 : index
    %get3A_167 = memref.load %arg3[%get3A_165, %get3A_166] : memref<8x3xf32, #tpu.memory_space<smem>>
    %mul3A_168 = vector.broadcast %get3A_167 : f32 to vector<1000x128xf32>
    %mul3A_169 = arith.mulf %mul3A_168, %dot_general3A_7 : vector<1000x128xf32>
    %get3A_170 = arith.constant 7 : index
    %get3A_171 = arith.constant 1 : index
    %get3A_172 = memref.load %arg3[%get3A_170, %get3A_171] : memref<8x3xf32, #tpu.memory_space<smem>>
    %mul3A_173 = vector.broadcast %get3A_172 : f32 to vector<1000x128xf32>
    %mul3A_174 = arith.mulf %mul3A_173, %dot_general3A_17 : vector<1000x128xf32>
    %add3A_175 = arith.addf %mul3A_169, %mul3A_174 : vector<1000x128xf32>
    %get3A_176 = arith.constant 7 : index
    %get3A_177 = arith.constant 2 : index
    %get3A_178 = memref.load %arg3[%get3A_176, %get3A_177] : memref<8x3xf32, #tpu.memory_space<smem>>
    %mul3A_179 = vector.broadcast %get3A_178 : f32 to vector<1000x128xf32>
    %mul3A_180 = arith.mulf %mul3A_179, %dot_general3A_27 : vector<1000x128xf32>
    %add3A_181 = arith.addf %add3A_175, %mul3A_180 : vector<1000x128xf32>
    %swap3A_182 = arith.constant 0 : index
    %swap3A_183 = arith.constant 896 : index
    %swap3A_184 = vector.load %arg4[%swap3A_182, %swap3A_183] : memref<1000x1024xf32, #tpu.memory_space<vmem>>, vector<1000x128xf32>
    tpu.vector_store %arg4[%swap3A_182, %swap3A_183], %add3A_181 {strides = array<i32>} : memref<1000x1024xf32, #tpu.memory_space<vmem>>, vector<1000x128xf32>,
    return
  }
  func.func @transform_0(%arg0: i32) -> (i32, i32) {
    %c0_i32 = arith.constant 0 : i32
    %c0_i32_0 = arith.constant 0 : i32
    return %arg0, %c0_i32 : i32, i32
  }
  func.func @transform_1(%arg0: i32) -> (i32, i32, i32) {
    %c0_i32 = arith.constant 0 : i32
    %c0_i32_0 = arith.constant 0 : i32
    %c0_i32_1 = arith.constant 0 : i32
    %c0_i32_2 = arith.constant 0 : i32
    return %c0_i32, %c0_i32_0, %c0_i32_1 : i32, i32, i32
  }
  func.func @transform_2(%arg0: i32) -> (i32, i32) {
    %c0_i32 = arith.constant 0 : i32
    %c0_i32_0 = arith.constant 0 : i32
    %c0_i32_1 = arith.constant 0 : i32
    return %c0_i32, %c0_i32_0 : i32, i32
  }
  func.func @transform_3(%arg0: i32) -> (i32, i32) {
    %c0_i32 = arith.constant 0 : i32
    %c0_i32_0 = arith.constant 0 : i32
    return %arg0, %c0_i32 : i32, i32
  }
}

module attributes {stable_mosaic.version = 14 : i64} {
  func.func @_fin_body(%arg0: i32, %arg1: memref<2x632x128xf32, #tpu.memory_space<vmem>>, %arg2: memref<1x128xf32, #tpu.memory_space<vmem>>, %arg3: memref<632x128xf32, #tpu.memory_space<vmem>>) attributes {dimension_semantics = [#tpu.dimension_semantics<arbitrary>], iteration_bounds = array<i64: 16>, scalar_prefetch = 0 : i64, scratch_operands = 0 : i64, tpu.core_type = #tpu.core_type<tc>, window_params = [{transform_indices = @transform_0, window_bounds = array<i64: 2, 632, 128>}, {pipeline_mode = #tpu.pipeline_mode<synchronous>, transform_indices = @transform_1, window_bounds = array<i64: 1, 128>}, {transform_indices = @transform_2, window_bounds = array<i64: 632, 128>}]} {
    %get3A = arith.constant 0 : index
    %get3A_0 = arith.constant 0 : index
    %get3A_1 = arith.constant 0 : index
    %get3A_2 = vector.load %arg1[%get3A, %get3A_0, %get3A_1] : memref<2x632x128xf32, #tpu.memory_space<vmem>>, vector<1x632x128xf32>
    %get3A_3 = vector.shape_cast %get3A_2 : vector<1x632x128xf32> to vector<632x128xf32>
    %get3A_4 = arith.constant 1 : index
    %get3A_5 = arith.constant 0 : index
    %get3A_6 = arith.constant 0 : index
    %get3A_7 = vector.load %arg1[%get3A_4, %get3A_5, %get3A_6] : memref<2x632x128xf32, #tpu.memory_space<vmem>>, vector<1x632x128xf32>
    %get3A_8 = vector.shape_cast %get3A_7 : vector<1x632x128xf32> to vector<632x128xf32>
    %add3A = arith.addf %get3A_3, %get3A_8 : vector<632x128xf32>
    %get3A_9 = arith.constant 0 : index
    %get3A_10 = arith.constant 0 : index
    %get3A_11 = vector.load %arg2[%get3A_9, %get3A_10] : memref<1x128xf32, #tpu.memory_space<vmem>>, vector<1x128xf32>
    %add3A_12 = vector.broadcast %get3A_11 : vector<1x128xf32> to vector<632x128xf32>
    %add3A_13 = arith.addf %add3A, %add3A_12 : vector<632x128xf32>
    %max3A = arith.constant 0.000000e+00 : f32
    %max3A_14 = vector.broadcast %max3A : f32 to vector<632x128xf32>
    %max3A_15 = arith.maximumf %add3A_13, %max3A_14 : vector<632x128xf32>
    %swap3A = arith.constant 0 : index
    %swap3A_16 = arith.constant 0 : index
    %swap3A_17 = vector.load %arg3[%swap3A, %swap3A_16] : memref<632x128xf32, #tpu.memory_space<vmem>>, vector<632x128xf32>
    tpu.vector_store %arg3[%swap3A, %swap3A_16], %max3A_15 {strides = array<i32>} : memref<632x128xf32, #tpu.memory_space<vmem>>, vector<632x128xf32>,
    return
  }
  func.func @transform_0(%arg0: i32) -> (i32, i32, i32) {
    %c0_i32 = arith.constant 0 : i32
    %c0_i32_0 = arith.constant 0 : i32
    %c0_i32_1 = arith.constant 0 : i32
    return %c0_i32, %arg0, %c0_i32_0 : i32, i32, i32
  }
  func.func @transform_1(%arg0: i32) -> (i32, i32) {
    %c0_i32 = arith.constant 0 : i32
    %c0_i32_0 = arith.constant 0 : i32
    %c0_i32_1 = arith.constant 0 : i32
    return %c0_i32, %c0_i32_0 : i32, i32
  }
  func.func @transform_2(%arg0: i32) -> (i32, i32) {
    %c0_i32 = arith.constant 0 : i32
    %c0_i32_0 = arith.constant 0 : i32
    return %arg0, %c0_i32 : i32, i32
  }
}

</mosaic_0001>

<sc_bundles>
// kernel: kernel.5.cloned.1.call-start
scs
__scs_entry_jumppad:
0x0: {  	(pc) =	sbr.rel $0x88, $3  }
0x1: {  	(tag) =	ssettag $0x0;
	lr =	simm.s32 $0x1  }
0x2: {  	[smem:$0x3F9B] =	sst lr;
	_ =	strace $0xD0000000  }
0x3: {  	_ = 	snop  }
0x4: {  	_ = 	snop  }
0x5: {  	_ = 	snop  }
0x6: {  	_ = 	snop  }
0x7: {  	_ = 	snop  }
__scs_overlays_trampoline_lowered:
0x8: {  	[smem:$0x3FAA] =	sst s0  }
0x9: {  	[smem:$0x3FAB] =	sst s1  }
0xa: {  	[smem:$0x3FAC] =	sst s2  }
0xb: {  	[smem:$0x3FAD] =	sst s3  }
0xc: {  	[smem:$0x3FAE] =	sst s4  }
0xd: {  	[smem:$0x3FAF] =	sst s5  }
0xe: {  	[smem:$0x3FB0] =	sst s6  }
0xf: {  	[smem:$0x3FB1] =	sst s7  }
0x10: {  	[smem:$0x3FB2] =	sst s8  }
0x11: {  	[smem:$0x3FB3] =	sst s9;
	s0 =	simm.s32 @!p0 $0x0  }
0x12: {  	s1 =	sld [smem:$0x3F99];
	s0 =	simm.s32 @p0 $0x1  }
0x13: {  	[smem:$0x3FB4] =	sst s0;
	s0 =	simm.s32 @!p1 $0x0  }
0x14: {  	s2 =	sld [smem:$0x3F98];
	s0 =	simm.s32 @p1 $0x1  }
0x15: {  	[smem:$0x3FB5] =	sst s0;
	s0 =	simm.s32 @!p2 $0x0  }
0x16: {  	s3 =	sld [smem:$0x3FDB];
	s0 =	simm.s32 @p2 $0x1  }
0x17: {  	s4 =	simm.s32 $0x1BF5;
	[smem:$0x3FB7] =	sst s0  }
0x18: {  	s0 =	sld [smem:$0x3F9A];
	_ =	swait.ge [sflag:s4], $0x0  }
0x19: {  	s7 =	sld [smem:$0x3F9B]  }
0x1a: {  	s8 =	sadd.s32 $0xFFFFE003, lr  }
0x1b: {  	s9 =	sadd.s32 $0xFFFFFEF7, lr;
	s5 =	simm.s32 $0xFFFFFFFF;
	p2 =	slt.u32 s8, $0xFFFFF086  }
0x1c: {  	p1 =	slt.u32 s9, $0xF7A;
	s5 =	simm.s32 @!p2 $0x0  }
0x1d: {  	s5 =	simm.s32 @p1 $0x1;
	p0 =	seq.s32 s7, s2  }
0x1e: {  	s7 =	smul.u32 @!p0 $0xF7A, s2;
	p2 =	seq.s32 @!p0 s5, $0x0  }
0x1f: {  	s9 =	smul.u32 $0xF7A, s1;
	s8 =	simm.s32 @!p0 $0x1BF5;
	p2 =	por !p2, p0  }
0x20: {  	[sflag:s8] =	ssyncset.s32 @!p0 $0xFFFFF086;
	s6 =	sadd.s32 @!p0 s3, s7;
	s7 =	simm.s32 @!p0 $0x108  }
0x21: {  	s3 =	sadd.s32 s3, s9;
	s6 =	sadd.s32 @!p0 $0x88, s6;
	s7 =	simm.s32 @p2 $0x1082  }
0x22: {  	[simem:s7], [sflag:s8] =	dma.local @!p0 [hbm:s6], $0xF7A  }
0x23: {  	s9 =	sor.u32 $0xD0000000, s2;
	s6 =	simm.s32 $0x108;
	_ =	swait.ge @!p0 [sflag:s8], $0x0  }
0x24: {  	s3 =	sadd.s32 $0x88, s3;
	s6 =	simm.s32 @!p1 $0x1082;
	[sflag:s4] =	ssyncset.s32 $0xFFFFF086  }
0x25: {  	[simem:s6], [sflag:s4] =	dma.local [hbm:s3], $0xF7A  }
0x26: {  	[smem:$0x3F9B] =	sst s1;
	(tag) =	ssettag s2;
	_ =	strace s9  }
0x27: {  	s1 =	sld [smem:$0x3FAB]  }
0x28: {  	s2 =	sld [smem:$0x3FAC]  }
0x29: {  	s4 =	sld [smem:$0x3FAE]  }
0x2a: {  	p0 =	seq.s32 s5, $0x0;
	s5 =	sld [smem:$0x3FAF]  }
0x2b: {  	s6 =	sld [smem:$0x3FB0]  }
0x2c: {  	s7 =	sld [smem:$0x3FB1]  }
0x2d: {  	s3 =	simm.s32 $0x108;
	s8 =	sld [smem:$0x3FB2]  }
0x2e: {  	s3 =	simm.s32 @!p0 $0x1082;
	s9 =	sld [smem:$0x3FB3]  }
0x2f: {  	lr =	sadd.s32 s0, s3;
	s0 =	sld [smem:$0x3FAA]  }
0x30: {  	s3 =	sld [smem:$0x3FAD]  }
0x31: {  	[smem:$0x3FB6] =	sst s10  }
0x32: {  	s10 =	sld [smem:$0x3FB4];
	_ =	sdelay $0x3  }
0x33: {  	p0 =	seq.s32 s10, $0x1;
	s10 =	sld [smem:$0x3FB6];
	_ =	sdelay $0x3  }
0x34: {  	[smem:$0x3FB6] =	sst s10  }
0x35: {  	s10 =	sld [smem:$0x3FB5];
	_ =	sdelay $0x3  }
0x36: {  	p1 =	seq.s32 s10, $0x1;
	s10 =	sld [smem:$0x3FB6];
	_ =	sdelay $0x3  }
0x37: {  	[smem:$0x3FB6] =	sst s10  }
0x38: {  	s10 =	sld [smem:$0x3FB7]  }
0x39: {  	_ = 	snop;
	(pc) =	sbr.ind lr, $3  }
0x3a: {  	_ = 	snop  }
0x3b: {  	_ = 	snop  }
0x3c: {  	p2 =	seq.s32 s10, $0x1;
	s10 =	sld [smem:$0x3FB6]  }
0x3d: {  	_ =	shalt  }
0x3e: {  	_ =	shalt  }
0x3f: {  	_ =	shalt  }
0x40: {  	_ =	shalt  }
0x41: {  	_ =	shalt  }
0x42: {  	_ =	shalt  }
0x43: {  	_ =	shalt  }
0x44: {  	_ =	shalt  }
0x45: {  	_ =	shalt  }
0x46: {  	_ =	shalt  }
0x47: {  	_ =	shalt  }
0x48: {  	_ =	shalt  }
0x49: {  	_ =	shalt  }
0x4a: {  	_ =	shalt  }
0x4b: {  	_ =	shalt  }
0x4c: {  	_ =	shalt  }
0x4d: {  	_ =	shalt  }
0x4e: {  	_ =	shalt  }
0x4f: {  	_ =	shalt  }
0x50: {  	_ =	shalt  }
0x51: {  	_ =	shalt  }
0x52: {  	_ =	shalt  }
0x53: {  	_ =	shalt  }
0x54: {  	_ =	shalt  }
0x55: {  	_ =	shalt  }
0x56: {  	_ =	shalt  }
0x57: {  	_ =	shalt  }
0x58: {  	_ =	shalt  }
0x59: {  	_ =	shalt  }
0x5a: {  	_ =	shalt  }
0x5b: {  	_ =	shalt  }
0x5c: {  	_ =	shalt  }
0x5d: {  	_ =	shalt  }
0x5e: {  	_ =	shalt  }
0x5f: {  	_ =	shalt  }
0x60: {  	_ =	shalt  }
0x61: {  	_ =	shalt  }
0x62: {  	_ =	shalt  }
0x63: {  	_ =	shalt  }
0x64: {  	_ =	shalt  }
0x65: {  	_ =	shalt  }
0x66: {  	_ =	shalt  }
0x67: {  	_ =	shalt  }
0x68: {  	_ =	shalt  }
0x69: {  	_ =	shalt  }
0x6a: {  	_ =	shalt  }
0x6b: {  	_ =	shalt  }
0x6c: {  	_ =	shalt  }
0x6d: {  	_ =	shalt  }
0x6e: {  	_ =	shalt  }
0x6f: {  	_ =	shalt  }
0x70: {  	_ =	shalt  }
0x71: {  	_ =	shalt  }
0x72: {  	_ =	shalt  }
0x73: {  	_ =	shalt  }
0x74: {  	_ =	shalt  }
0x75: {  	_ =	shalt  }
0x76: {  	_ =	shalt  }
0x77: {  	_ =	shalt  }
0x78: {  	_ =	shalt  }
0x79: {  	_ =	shalt  }
0x7a: {  	_ =	shalt  }
0x7b: {  	_ =	shalt  }
0x7c: {  	_ =	shalt  }
0x7d: {  	_ =	shalt  }
0x7e: {  	_ =	shalt  }
0x7f: {  	_ =	shalt  }
0x80: {  	_ =	shalt  }
0x81: {  	_ =	shalt  }
0x82: {  	_ =	shalt  }
0x83: {  	_ =	shalt  }
0x84: {  	_ =	shalt  }
0x85: {  	_ =	shalt  }
0x86: {  	_ =	shalt  }
0x87: {  	_ =	shalt  }
.Lfunc_end0:
.L_simem_size_0:
called_computation_lowered:
.L_overlay_start_0:
0x88: {  	s2 =	sld [smem:$0x3FD9]  }
0x89: {  	s3 =	sld [smem:$0x3FFE];
	_ =	sdelay $0x1  }
0x8a: {  	s1 =	srdreg.scid  }
0x8b: {  	s0 =	sand.u32 $0x1, s1  }
0x8c: {  	s17 =	sshll.u32 s0, $0xA;
	s2 =	sadd.s32 s3, s2  }
0x8d: {  	s2 =	sadd.s32 s2, s17  }
0x8e: {  	[smem:$0x3FC2] =	sst s2  }
0x8f: {  	_ = 	snop  }
0x90: {  	s2 =	sld [smem:$0x3FD0];
	(tm) =	ssettm $0x1  }
0x91: {  	s18 =	sld [smem:$0x3FFB];
	_ =	sdelay $0x3  }
0x92: {  	_ =	strace s18  }
0x93: {  	s3 =	sld [smem:$0x3FFC];
	_ =	sdelay $0x3  }
0x94: {  	_ =	strace s3  }
0x95: {  	s3 =	sld [smem:$0x3FFD];
	_ =	sdelay $0x3  }
0x96: {  	_ =	strace s3  }
0x97: {  	_ =	strace $0x8FFFFFFF  }
0x98: {  	s19 =	sld [smem:$0x3FDB];
	_ =	sdelay $0x1  }
0x99: {  	s4 =	simm.s32 $_scs_section_size  }
0x9a: {  	s5 =	simm.s32 $_size__tile_overlayer_lowered;
	s6 =	simm.s32 $_tile_overlayer_lowered  }
0x9b: {  	s22 =	simm.s32 $0x1BFF;
	s21 =	sshll.u32 s6, $0x1;
	s3 =	sadd.s32 s4, s19  }
0x9c: {  	s7 =	simm.s32 $0x0;
	s20 =	sshll.u32 s5, $0x1;
	s5 =	sadd.s32 s21, s3  }
0x9d: {  	[timem:s7], [sflag:s22] =	dma.local [hbm:s5], s20  }
0x9e: {  	_ =	swait.ge [sflag:s22], s20  }
0x9f: {  	s4 =	ssub.s32 $0x0, s20;
	[sflag:s22] =	ssyncset.done $0x0  }
0xa0: {  	[sflag:s22] =	ssyncadd.s32 s4;
	_ =	sdelay $0x1  }
0xa1: {  	s23 =	simm.s32 $0x1B8B  }
0xa2: {  	_ =	swait.ge [sflag:s23], $0x1  }
0xa3: {  	[sflag:s23] =	ssyncset.done $0x0  }
0xa4: {  	s25 =	simm.s32 $0x1B8E;
	s24 =	sld [smem:$0x3FFE];
	[sflag:s23] =	ssyncadd.s32 $0xFFFFFFFF  }
0xa5: {  	s26 =	simm.s32 $execute0_lowered;
	[smem:$0x3FD2] =	sst s25  }
0xa6: {  	s5 =	sshll.u32 s26, $0x1;
	_ =	strace $0x80000046;
	[dreg:$0x1] =	wrdreg $0xFFFFFFFF  }
0xa7: {  	s28 =	simm.s32 $_size_execute0_lowered;
	s3 =	sadd.s32 s3, s5;
	[dreg:$0x0] =	wrdreg $0x0  }
0xa8: {  	s5 =	sshll.u32 s28, $0x1;
	[dreg:$0x2] =	wrdreg s3  }
0xa9: {  	[dreg:$0x3] =	wrdreg s5  }
0xaa: {  	[dreg:$0x4] =	wrdreg $0xC0  }
0xab: {  	_ =	task [dreg:s7], $0x5FFFF  }
0xac: {  	[dreg:$0x1] =	wrdreg $0xFFFFFFFF  }
0xad: {  	[dreg:$0x0] =	wrdreg $0x60  }
0xae: {  	[dreg:$0x2] =	wrdreg s2  }
0xaf: {  	[dreg:$0x3] =	wrdreg s24  }
0xb0: {  	[dreg:$0x4] =	wrdreg $0xAC000  }
0xb1: {  	[dreg:$0x5] =	wrdreg $0xEC000  }
0xb2: {  	[dreg:$0x6] =	wrdreg $0x9  }
0xb3: {  	_ =	task.clear_ibuf [dreg:s7], $0x7FFFF;
	_ =	strace $0x90000046  }
0xb4: {  	s29 =	simm.s32 $0x9;
	_ =	strace $0x80000048  }
0xb5: {  	_ =	swait.ge [sflag:s29], $0x1  }
0xb6: {  	[sflag:s29] =	ssyncadd.s32 $0xFFFFFFFF  }
0xb7: {  	_ =	strace $0x90000048  }
0xb8: {  	_ =	sfence  }
0xb9: {  	s30 =	sld [smem:$0x0];
	_ =	sdelay $0x2  }
0xba: {  	s31 =	sshll.u32 s1, $0xD;
	s1 =	sshrl.u32 s1, $0x2  }
0xbb: {  	s3 =	sand.u32 $0x4000, s31;
	s1 =	sadd.s32 s1, s30  }
0xbc: {  	s0 =	sor.u32 s3, s0;
	s1 =	sshll.u32 s1, $0x11  }
0xbd: {  	s0 =	sor.u32 s1, s0  }
0xbe: {  	s0 =	sadd.s32 $0x8F2B, s0  }
0xbf: {  	[sflag:s0] =	ssyncadd.remote.s32 $0x1  }
0xc0: {  	_ =	sfence.sel $0xFFFF  }
0xc1: {  	[dreg:$0x0] =	wrdreg $0xFFFFFFFF;
	(pc) =	sbr.abs _section_cstart, $3  }
0xc2: {  	[dreg:$0x1] =	wrdreg $0xFFFFFFFF  }
0xc3: {  	_ =	task.clear_ibuf [dreg:s7], $0x2FFFF;
	_ =	strace $0x9FFFFFFF  }
0xc4: {  	(tm) =	ssettm $0x7FFFFFFF  }
0xc5: {  	_ =	shalt  }
tec
execute0_lowered:
.L_overlay_start_1:
0x0: {  	(tag) =	ssettag $0x1  }
0x1: {  	s4 =	rddreg [dreg:$0x0]  }
0x2: {  	s5 =	rddreg [dreg:$0x1]  }
0x3: {  	s7 =	rddreg [dreg:$0x2]  }
0x4: {  	s6 =	rddreg [dreg:$0x3]  }
0x5: {  	s0 =	rddreg [dreg:$0x4];
	s2 =	simm.s32 $0x0  }
0x6: {  	s1 =	srdreg.scid;
	s13 =	simm.s32 $0x2C00;
	s14 =	simm.s32 $0x2880  }
0x7: {  	s15 =	simm.s32 $0x4C00;
	s16 =	simm.s32 $0x2900;
	s17 =	simm.s32 $0x6C00  }
0x8: {  	s18 =	simm.s32 $0x2980;
	s19 =	simm.s32 $0x8C00;
	s20 =	simm.s32 $0x1  }
0x9: {  	s21 =	simm.s32 $0x2;
	s22 =	simm.s32 $0x3;
	s23 =	simm.s32 $0x4  }
0xa: {  	[smem:$0x7FF] =	sst s2;
	s3 =	sand.u32 $0x1, s1;
	s1 =	stileid.u32  }
0xb: {  	s8 =	smul.u32 $0x13C000, s3;
	_ =	strace $0x80000047;
	s9 =	sshll.u32 s1, $0xE  }
0xc: {  	s10 =	sshll.u32 s3, $0x4;
	s11 =	ssub.s32 $0x2, s3;
	s3 =	sadd.s32 $0x139200, s5  }
0xd: {  	s28 =	sshll.u32 s1, $0xF;
	s29 =	sshll.u32 s1, $0xC;
	s31 =	sshll.u32 s1, $0x6  }
0xe: {  	s25 =	sor.u32 s1, s10;
	s26 =	sshrl.u32 s11, $0x1;
	s30 =	sadd.s32 s28, s6  }
0xf: {  	s24 =	sadd.s32 s9, s7;
	s8 =	sadd.s32 s9, s8;
	s12 =	smul.u32 $0x500, s25  }
.Ltmp0:
0x10: {  	s10 =	ssub.s32 s11, s26;
	s9 =	sor.u32 $0x1C05, s31;
	(pc) =	sbr.rel .LBB2_1-.Ltmp0, $4  }
0x11: {  	s11 =	simm.s32 $0x40;
	s24 =	sshrl.u32 s24, $0x3;
	s25 =	simm.s32 $0x0  }
0x12: {  	s8 =	sshrl.u32 s8, $0x3;
	s7 =	smax.u32 s10, $0x1;
	s10 =	sshrl.u32 s30, $0x3  }
0x13: {  	s8 =	sadd.s32 s8, s5;
	s4 =	sadd.s32 s4, s12;
	s5 =	sadd.s32 s3, s29  }
0x14: {  	v0 =	vimm.f32 $0.0e+00;
	s12 =	simm.s32 $0x2800;
	s6 =	sadd.s32 $0xA00, s8;
	s8 =	simm.s32 $0x5  }
.LBB2_8:
0x15: {  	s25 =	sadd.s32 $0x1, s25  }
0x16: {  	p0 =	sne.s32 s25, s7  }
.Ltmp1:
0x17: {  	[bflag:$0x0] =	sbarrier.arrive $0xFFFF;
	(pc) =	sbr.rel @!p0 .LBB2_9-.Ltmp1, $4  }
0x18: {  	[hbm:s6], [sflag:s9] =	dma.local [spmem:s24], $0x800  }
0x19: {  	_ =	swait.ge [sflag:s8], $0x800  }
0x1a: {  	[sflag:s8] =	ssyncset.done $0x0  }
0x1b: {  	[sflag:s8] =	ssyncadd.s32 $0xFFFFF800  }
.LBB2_1:
0x1c: {  	[tilespmem:s2], [sflag:$0x5] =	stream.linear.gather [hbm4b:s4+s2], $0x2800, $0x38;
	[tilespmem:$0x16C00] =	vst v63  }
0x1d: {  	_ =	swait.ge [sflag:s8], $0x2800  }
0x1e: {  	[sflag:s8] =	ssyncset.done $0x0  }
0x1f: {  	s26 =	simm.s32 $0x0;
	s28 =	simm.s32 $0x200;
	[sflag:s8] =	ssyncadd.s32 $0xFFFFD800  }
.LBB2_2:
0x20: {  	p0 =	sne.s32 s28, $0x7E00;
	[tilespmem:s26+$0x2C70] =	vst v0  }
0x21: {  	[tilespmem:s26+$0x2C00] =	vst v0  }
0x22: {  	[tilespmem:s26+$0x2C10] =	vst v0  }
.Ltmp2:
0x23: {  	[tilespmem:s26+$0x2C20] =	vst v0;
	(pc) =	sbr.rel @p0 .LBB2_2-.Ltmp2, $4  }
0x24: {  	[tilespmem:s26+$0x2C30] =	vst v0  }
0x25: {  	[tilespmem:s26+$0x2C40] =	vst v0  }
0x26: {  	[tilespmem:s26+$0x2C50] =	vst v0  }
0x27: {  	[tilespmem:s26+$0x2C60] =	vst v0;
	s26 =	sshra.s32 s28, $0x2;
	s28 =	sadd.s32 $0x200, s28  }
0x28: {  	[tilespmem:s26+$0x2C70] =	vst v0  }
0x29: {  	[tilespmem:s26+$0x2C00] =	vst v0  }
0x2a: {  	[tilespmem:s26+$0x2C10] =	vst v0  }
0x2b: {  	[tilespmem:s26+$0x2C20] =	vst v0  }
0x2c: {  	[tilespmem:s26+$0x2C30] =	vst v0  }
0x2d: {  	[tilespmem:s26+$0x2C40] =	vst v0  }
0x2e: {  	[tilespmem:s26+$0x2C50] =	vst v0  }
0x2f: {  	[tilespmem:s26+$0x2C60] =	vst v0  }
0x30: {  	[spmem:s10], [sflag:s9] =	dma.local [hbm:s5], $0x1000  }
0x31: {  	_ =	swait.ge [sflag:s8], $0x1000  }
0x32: {  	[sflag:s8] =	ssyncset.done $0x0  }
0x33: {  	[sflag:s8] =	ssyncadd.s32 $0xFFFFF000  }
0x34: {  	[bflag:$0x0] =	sbarrier.arrive $0xFFFF  }
0x35: {  	v1 =	vld [tilespmem:$0x0];
	_ =	sdelay $0x1  }
0x36: {  	v2 =	vld [tilespmem:$0x10];
	_ =	sdelay $0x1  }
0x37: {  	v3 =	vld [tilespmem:$0x20]  }
0x38: {  	v4 =	vand.u32 $0x1FFF, v1  }
0x39: {  	v59 =	vld [tilespmem:$0x30];
	v1 =	vand.u32 $0x3FFF, v1;
	[tilespmem:$0x2800] =	vst v4  }
0x3a: {  	[tilespmem:$0x2A00] =	vst v1;
	v1 =	vand.u32 $0x1FFF, v2  }
0x3b: {  	[tilespmem:$0x2810] =	vst v1;
	v1 =	vand.u32 $0x3FFF, v2  }
0x3c: {  	[tilespmem:$0x2A10] =	vst v1;
	v1 =	vand.u32 $0x1FFF, v3  }
0x3d: {  	[tilespmem:$0x2820] =	vst v1;
	v1 =	vand.u32 $0x3FFF, v3  }
0x3e: {  	[tilespmem:$0x2A20] =	vst v1;
	v1 =	vand.u32 $0x1FFF, v59  }
0x3f: {  	[tilespmem:$0x2830] =	vst v1;
	v1 =	vand.u32 $0x3FFF, v59  }
0x40: {  	[tilespmem:$0x2A30] =	vst v1  }
0x41: {  	[tilespmem:s13], [sflag:$0x1] =	stream.indirect.gather [hbm4b:s3+s11], $0x80, s12, s11, $0xb8;
	[tilespmem:$0x16C00] =	vst v63  }
0x42: {  	v1 =	vld [tilespmem:$0x40];
	_ =	sdelay $0x1  }
0x43: {  	v2 =	vld [tilespmem:$0x50];
	_ =	sdelay $0x1  }
0x44: {  	v3 =	vld [tilespmem:$0x60]  }
0x45: {  	v60 =	vand.u32 $0x1FFF, v1  }
0x46: {  	v61 =	vld [tilespmem:$0x70];
	v1 =	vand.u32 $0x3FFF, v1;
	[tilespmem:$0x2880] =	vst v60  }
0x47: {  	[tilespmem:$0x2A80] =	vst v1;
	v1 =	vand.u32 $0x1FFF, v2  }
0x48: {  	[tilespmem:$0x2890] =	vst v1;
	v1 =	vand.u32 $0x3FFF, v2  }
0x49: {  	[tilespmem:$0x2A90] =	vst v1;
	v1 =	vand.u32 $0x1FFF, v3  }
0x4a: {  	[tilespmem:$0x28A0] =	vst v1;
	v1 =	vand.u32 $0x3FFF, v3  }
0x4b: {  	[tilespmem:$0x2AA0] =	vst v1;
	v1 =	vand.u32 $0x1FFF, v61  }
0x4c: {  	[tilespmem:$0x28B0] =	vst v1;
	v1 =	vand.u32 $0x3FFF, v61  }
0x4d: {  	[tilespmem:$0x2AB0] =	vst v1  }
0x4e: {  	[tilespmem:s15], [sflag:$0x2] =	stream.indirect.gather [hbm4b:s3+s11], $0x80, s14, s11, $0xb8;
	[tilespmem:$0x16C00] =	vst v63  }
0x4f: {  	v1 =	vld [tilespmem:$0x80];
	_ =	sdelay $0x1  }
0x50: {  	v2 =	vld [tilespmem:$0x90];
	_ =	sdelay $0x1  }
0x51: {  	v3 =	vld [tilespmem:$0xA0]  }
0x52: {  	v62 =	vand.u32 $0x1FFF, v1  }
0x53: {  	v63 =	vld [tilespmem:$0xB0];
	v1 =	vand.u32 $0x3FFF, v1;
	[tilespmem:$0x2900] =	vst v62  }
0x54: {  	[tilespmem:$0x2B00] =	vst v1;
	v1 =	vand.u32 $0x1FFF, v2  }
0x55: {  	[tilespmem:$0x2910] =	vst v1;
	v1 =	vand.u32 $0x3FFF, v2  }
0x56: {  	[tilespmem:$0x2B10] =	vst v1;
	v1 =	vand.u32 $0x1FFF, v3  }
.Ltmp3:
0x57: {  	[tilespmem:$0x2920] =	vst v1;
	v1 =	vand.u32 $0x3FFF, v3;
	(pc) =	sbr.rel .LBB2_4-.Ltmp3, $4  }
0x58: {  	[tilespmem:$0x2B20] =	vst v1;
	v1 =	vand.u32 $0x1FFF, v63  }
0x59: {  	[tilespmem:$0x2930] =	vst v1;
	v1 =	vand.u32 $0x3FFF, v63  }
0x5a: {  	s26 =	simm.s32 $0x0;
	[tilespmem:$0x2B30] =	vst v1  }
0x5b: {  	[tilespmem:s17], [sflag:$0x3] =	stream.indirect.gather [hbm4b:s3+s11], $0x80, s16, s11, $0xb8;
	[tilespmem:$0x16C00] =	vst v63  }
.LBB2_6:
0x5c: {  	v1 =	vld [tilespmem:s28+$0x100];
	_ =	sdelay $0x4  }
0x5d: {  	v2 =	vand.u32 $0x1FFF, v1  }
0x5e: {  	v1 =	vand.u32 $0x3FFF, v1;
	[tilespmem:$0x2800] =	vst v2  }
0x5f: {  	[tilespmem:$0x2A00] =	vst v1  }
0x60: {  	v1 =	vld [tilespmem:s28+$0x110];
	_ =	sdelay $0x4  }
0x61: {  	v2 =	vand.u32 $0x1FFF, v1  }
0x62: {  	v1 =	vand.u32 $0x3FFF, v1;
	[tilespmem:$0x2810] =	vst v2  }
0x63: {  	[tilespmem:$0x2A10] =	vst v1  }
0x64: {  	v1 =	vld [tilespmem:s28+$0x120];
	_ =	sdelay $0x4  }
0x65: {  	v2 =	vand.u32 $0x1FFF, v1  }
0x66: {  	v1 =	vand.u32 $0x3FFF, v1;
	[tilespmem:$0x2820] =	vst v2  }
0x67: {  	[tilespmem:$0x2A20] =	vst v1  }
0x68: {  	v1 =	vld [tilespmem:s28+$0x130];
	_ =	sdelay $0x4  }
0x69: {  	v2 =	vand.u32 $0x1FFF, v1  }
0x6a: {  	v1 =	vand.u32 $0x3FFF, v1;
	[tilespmem:$0x2830] =	vst v2  }
0x6b: {  	[tilespmem:$0x2A30] =	vst v1  }
0x6c: {  	[tilespmem:s13], [sflag:$0x1] =	stream.indirect.gather [hbm4b:s3+s11], $0x80, s12, s11, $0xb8;
	[tilespmem:$0x16C00] =	vst v63  }
0x6d: {  	_ =	swait.ge [sflag:s21], $0x2000  }
0x6e: {  	[sflag:s21] =	ssyncset.done $0x0  }
0x6f: {  	[sflag:s21] =	ssyncadd.s32 $0xFFFFE000  }
0x70: {  	v1 =	vld [tilespmem:s28+$0x140];
	_ =	sdelay $0x4  }
0x71: {  	v2 =	vand.u32 $0x1FFF, v1  }
0x72: {  	v1 =	vand.u32 $0x3FFF, v1;
	[tilespmem:$0x2880] =	vst v2  }
0x73: {  	[tilespmem:$0x2A80] =	vst v1  }
0x74: {  	v1 =	vld [tilespmem:s28+$0x150];
	_ =	sdelay $0x4  }
0x75: {  	v2 =	vand.u32 $0x1FFF, v1  }
0x76: {  	v1 =	vand.u32 $0x3FFF, v1;
	[tilespmem:$0x2890] =	vst v2  }
0x77: {  	[tilespmem:$0x2A90] =	vst v1  }
0x78: {  	v1 =	vld [tilespmem:s28+$0x160];
	_ =	sdelay $0x4  }
0x79: {  	v2 =	vand.u32 $0x1FFF, v1  }
0x7a: {  	v1 =	vand.u32 $0x3FFF, v1;
	[tilespmem:$0x28A0] =	vst v2  }
0x7b: {  	[tilespmem:$0x2AA0] =	vst v1  }
0x7c: {  	v1 =	vld [tilespmem:s28+$0x170];
	_ =	sdelay $0x4  }
0x7d: {  	v2 =	vand.u32 $0x1FFF, v1  }
0x7e: {  	v1 =	vand.u32 $0x3FFF, v1;
	[tilespmem:$0x28B0] =	vst v2  }
0x7f: {  	[tilespmem:$0x2AB0] =	vst v1  }
0x80: {  	[tilespmem:s15], [sflag:$0x2] =	stream.indirect.gather [hbm4b:s3+s11], $0x80, s14, s11, $0xb8;
	[tilespmem:$0x16C00] =	vst v63  }
0x81: {  	_ =	swait.ge [sflag:s22], $0x2000  }
0x82: {  	[sflag:s22] =	ssyncset.done $0x0  }
0x83: {  	[sflag:s22] =	ssyncadd.s32 $0xFFFFE000  }
0x84: {  	v1 =	vld [tilespmem:s28+$0x180];
	_ =	sdelay $0x4  }
0x85: {  	v2 =	vand.u32 $0x1FFF, v1  }
0x86: {  	v1 =	vand.u32 $0x3FFF, v1;
	[tilespmem:$0x2900] =	vst v2  }
0x87: {  	[tilespmem:$0x2B00] =	vst v1  }
0x88: {  	v1 =	vld [tilespmem:s28+$0x190];
	_ =	sdelay $0x4  }
0x89: {  	v2 =	vand.u32 $0x1FFF, v1  }
0x8a: {  	v1 =	vand.u32 $0x3FFF, v1;
	[tilespmem:$0x2910] =	vst v2  }
0x8b: {  	[tilespmem:$0x2B10] =	vst v1  }
0x8c: {  	v1 =	vld [tilespmem:s28+$0x1A0];
	_ =	sdelay $0x4  }
0x8d: {  	v2 =	vand.u32 $0x1FFF, v1  }
0x8e: {  	v1 =	vand.u32 $0x3FFF, v1;
	[tilespmem:$0x2920] =	vst v2  }
0x8f: {  	[tilespmem:$0x2B20] =	vst v1  }
0x90: {  	v1 =	vld [tilespmem:s28+$0x1B0];
	_ =	sdelay $0x4  }
0x91: {  	v2 =	vand.u32 $0x1FFF, v1  }
0x92: {  	v1 =	vand.u32 $0x3FFF, v1;
	[tilespmem:$0x2930] =	vst v2  }
0x93: {  	[tilespmem:$0x2B30] =	vst v1  }
0x94: {  	[tilespmem:s17], [sflag:$0x3] =	stream.indirect.gather [hbm4b:s3+s11], $0x80, s16, s11, $0xb8;
	[tilespmem:$0x16C00] =	vst v63  }
.LBB2_7:
0x95: {  	s26 =	sadd.s32 $0x400, s26  }
0x96: {  	p0 =	sne.s32 s26, $0xA000  }
.Ltmp4:
0x97: {  	_ = 	snop;
	(pc) =	sbr.rel @!p0 .LBB2_8-.Ltmp4, $4  }
0x98: {  	_ = 	snop  }
0x99: {  	_ =	swait.ge [sflag:s23], $0x2000  }
0x9a: {  	[sflag:s23] =	ssyncset.done $0x0  }
0x9b: {  	[sflag:s23] =	ssyncadd.s32 $0xFFFFE000  }
.LBB2_4:
0x9c: {  	s28 =	sshra.s32 s26, $0x2  }
0x9d: {  	v1 =	vld [tilespmem:s28+$0xC0];
	_ =	sdelay $0x4  }
0x9e: {  	v2 =	vand.u32 $0x1FFF, v1  }
0x9f: {  	v1 =	vand.u32 $0x3FFF, v1;
	[tilespmem:$0x2980] =	vst v2  }
0xa0: {  	[tilespmem:$0x2B80] =	vst v1  }
0xa1: {  	v1 =	vld [tilespmem:s28+$0xD0];
	_ =	sdelay $0x4  }
0xa2: {  	v2 =	vand.u32 $0x1FFF, v1  }
0xa3: {  	v1 =	vand.u32 $0x3FFF, v1;
	[tilespmem:$0x2990] =	vst v2  }
0xa4: {  	[tilespmem:$0x2B90] =	vst v1  }
0xa5: {  	v1 =	vld [tilespmem:s28+$0xE0];
	_ =	sdelay $0x4  }
0xa6: {  	v2 =	vand.u32 $0x1FFF, v1  }
0xa7: {  	v1 =	vand.u32 $0x3FFF, v1;
	[tilespmem:$0x29A0] =	vst v2  }
0xa8: {  	[tilespmem:$0x2BA0] =	vst v1  }
0xa9: {  	v1 =	vld [tilespmem:s28+$0xF0];
	_ =	sdelay $0x4  }
0xaa: {  	v2 =	vand.u32 $0x1FFF, v1  }
0xab: {  	p0 =	sne.s32 s26, $0x9C00;
	v1 =	vand.u32 $0x3FFF, v1;
	[tilespmem:$0x29B0] =	vst v2  }
.Ltmp5:
0xac: {  	[tilespmem:$0x2BB0] =	vst v1;
	(pc) =	sbr.rel @p0 .LBB2_6-.Ltmp5, $4  }
0xad: {  	[tilespmem:s19], [sflag:$0x4] =	stream.indirect.gather [hbm4b:s3+s11], $0x80, s18, s11, $0xb8;
	[tilespmem:$0x16C00] =	vst v63  }
0xae: {  	_ =	swait.ge [sflag:s20], $0x2000  }
0xaf: {  	[sflag:s20] =	ssyncset.done $0x0  }
0xb0: {  	[sflag:s20] =	ssyncadd.s32 $0xFFFFE000  }
0xb1: {  	_ =	swait.ge [sflag:s21], $0x2000  }
.Ltmp6:
0xb2: {  	[sflag:s21] =	ssyncset.done $0x0;
	(pc) =	sbr.rel .LBB2_7-.Ltmp6, $4  }
0xb3: {  	[sflag:s21] =	ssyncadd.s32 $0xFFFFE000  }
0xb4: {  	_ =	swait.ge [sflag:s22], $0x2000  }
0xb5: {  	[sflag:s22] =	ssyncset.done $0x0  }
0xb6: {  	[sflag:s22] =	ssyncadd.s32 $0xFFFFE000  }
.LBB2_9:
0xb7: {  	_ =	sfence.sel $0x180000  }
0xb8: {  	[bflag:$0x0] =	sbarrier.arrive $0xFFFF  }
0xb9: {  	p0 =	sne.s32 s1, $0x0;
	_ =	strace $0x90000047  }
0xba: {  	s0 =	sadd.s32 @!p0 $0x100000, s0;
	[bflag:$0x2] =	sbarrier.arrive $0xFFFF  }
0xbb: {  	[sflag:s0] =	ssyncadd.tile.s32 @!p0 $0x1;
	_ =	shalt  }
.Lfunc_end2:
_tile_overlayer_lowered:
.L_overlay_start_2:
0xbc: {  	(tag) =	ssettag $0x2  }
0xbd: {  	s0 =	rddreg [dreg:$0x0];
	s2 =	stileid.u32  }
0xbe: {  	s1 =	rddreg [dreg:$0x1];
	p0 =	sne.s32 s2, $0x0  }
0xbf: {  	s3 =	rddreg [dreg:$0x2];
	[bflag:$0x3] =	sbarrier.arrive $0xFFFF;
	s2 =	simm.s32 @!p0 $0x1C05  }
0xc0: {  	[timem:s3], [sflag:s2] =	dma.local @!p0 [hbm:s0], s1  }
0xc1: {  	s0 =	simm.s32 @!p0 $0x5  }
0xc2: {  	_ =	swait.ge @!p0 [sflag:s0], s1  }
0xc3: {  	s1 =	ssub.s32 @!p0 $0x0, s1;
	[sflag:s0] =	ssyncset.done @!p0 $0x0  }
0xc4: {  	[sflag:s0] =	ssyncadd.s32 @!p0 s1  }
0xc5: {  	[bflag:$0x3] =	sbarrier.arrive $0xFFFF  }
0xc6: {  	_ =	shalt  }

</sc_bundles>
